<compile_context>
chip_gen: v7x
topology: tpu7x:2x2x1
jax: 0.10.2.dev20260603
libtpu: 0.0.44.dev20260713+nightly
codegen_flags: <defaults>
</compile_context>

<pallas_src>
import functools
import math

import jax
import jax.numpy as jnp
from jax import lax
from jax.experimental import pallas as pl
from jax.experimental.pallas import tpu as pltpu
from jax.experimental.pallas import tpu_sc as plsc

NC = 2
NS = 16
NW = NC * NS
C = 128



def _vproj_body(x_ref, wv_ref, v_ref):
    v_ref[...] = lax.dot_general(
        x_ref[...], wv_ref[...], (((1,), (1,)), ((), ())),
        preferred_element_type=jnp.float32)


def _vproj(x, Wv):
    N, D = x.shape
    blk = 2000
    return pl.pallas_call(
        _vproj_body,
        grid=(N // blk,),
        in_specs=[pl.BlockSpec((blk, D), lambda i: (i, 0)),
                  pl.BlockSpec((D, D), lambda i: (0, 0))],
        out_specs=pl.BlockSpec((blk, D), lambda i: (i, 0)),
        out_shape=jax.ShapeDtypeStruct((N, D), jnp.float32),
    )(x, Wv)


def _encoder_body(ea_ref, w1_ref, b1_ref, w2_ref, b2_ref, s_ref):
    h = lax.dot_general(ea_ref[...], w1_ref[...], (((1,), (1,)), ((), ())),
                        preferred_element_type=jnp.float32) + b1_ref[...]
    h = 0.5 * h * (1.0 + lax.erf(h * (1.0 / math.sqrt(2.0))))
    s_ref[...] = lax.dot_general(h, w2_ref[...], (((1,), (0,)), ((), ())),
                                 preferred_element_type=jnp.float32) + b2_ref[...]


def _encoder(edge_attr, W1, b1, W2p_t, b2p):
    E, ED = edge_attr.shape
    D = W1.shape[0]
    blk = 4000
    return pl.pallas_call(
        _encoder_body,
        grid=(E // blk,),
        in_specs=[pl.BlockSpec((blk, ED), lambda i: (i, 0)),
                  pl.BlockSpec((D, ED), lambda i: (0, 0)),
                  pl.BlockSpec((1, D), lambda i: (0, 0)),
                  pl.BlockSpec((D, 16), lambda i: (0, 0)),
                  pl.BlockSpec((1, 16), lambda i: (0, 0))],
        out_specs=pl.BlockSpec((blk, 16), lambda i: (i, 0)),
        out_shape=jax.ShapeDtypeStruct((E, 16), jnp.float32),
    )(edge_attr, W1, b1.reshape(1, D), W2p_t, b2p.reshape(1, 16))


def _oproj_body(p_ref, wo_ref, o_ref):
    p = p_ref[0] + p_ref[1]
    o_ref[...] = lax.dot_general(
        p, wo_ref[...], (((1,), (1,)), ((), ())),
        preferred_element_type=jnp.float32)


def _oproj(parts, Wo):
    _, N, D = parts.shape
    blk = 2000
    return pl.pallas_call(
        _oproj_body,
        grid=(N // blk,),
        in_specs=[pl.BlockSpec((2, blk, D), lambda i: (0, i, 0)),
                  pl.BlockSpec((D, D), lambda i: (0, 0))],
        out_specs=pl.BlockSpec((blk, D), lambda i: (i, 0)),
        out_shape=jax.ShapeDtypeStruct((N, D), jnp.float32),
    )(parts, Wo)



def _sc_denoms(S3, tgt2, m16, zden):
    NCH = S3.shape[0]
    N = zden.shape[0]
    kmax = -(-NCH // NW)
    rows = N // NS
    mesh = plsc.VectorSubcoreMesh(core_axis_name="c", subcore_axis_name="s",
                                  num_cores=NC, num_subcores=NS)

    @functools.partial(
        pl.kernel,
        out_type=jax.ShapeDtypeStruct((NC, N, 16), jnp.float32),
        mesh=mesh,
        compiler_params=pltpu.CompilerParams(use_tc_tiling_on_sc=False),
        scratch_types=[
            pltpu.VMEM((C, 16), jnp.float32),
            pltpu.VMEM((1, C), jnp.int32),
            pltpu.VMEM((16,), jnp.float32),
            pltpu.VMEM_SHARED((N, 16), jnp.float32),
        ],
    )
    def den_kernel(s3, tgt2_r, m16_r, zden_r, den_out, s_v, t_v, m_v, den_sh):
        cc = lax.axis_index("c")
        ss = lax.axis_index("s")
        w = ss * NC + cc
        pltpu.sync_copy(zden_r.at[pl.ds(ss * rows, rows)],
                        den_sh.at[pl.ds(ss * rows, rows)])
        pltpu.sync_copy(m16_r, m_v)
        plsc.subcore_barrier()
        mv = m_v[...]

        def chunk_body(k, carry):
            cid = w + NW * k

            @pl.when(cid < NCH)
            def _():
                pltpu.sync_copy(tgt2_r.at[cid], t_v)
                pltpu.sync_copy(s3.at[cid], s_v)

                def inner(i, c2):
                    s_v[i] = jnp.exp(s_v[i] - mv)
                    return c2
                lax.fori_loop(0, C, inner, 0)
                pltpu.sync_copy(s_v, den_sh.at[t_v.at[0]], add=True)
            return carry

        lax.fori_loop(0, kmax, chunk_body, 0)
        plsc.subcore_barrier()
        pltpu.sync_copy(den_sh.at[pl.ds(ss * rows, rows)],
                        den_out.at[cc, pl.ds(ss * rows, rows)])

    return den_kernel(S3, tgt2, m16, zden)


def _sc_aggregate(S3, tgt2, src2, V, den0, den1, m16, scale16, zacc):
    NCH = S3.shape[0]
    N, D = zacc.shape
    kmax = -(-NCH // NW)
    rows = N // NS
    mesh = plsc.VectorSubcoreMesh(core_axis_name="c", subcore_axis_name="s",
                                  num_cores=NC, num_subcores=NS)

    @functools.partial(
        pl.kernel,
        out_type=(jax.ShapeDtypeStruct((NCH, C, 16), jnp.float32),
                  jax.ShapeDtypeStruct((NC, N, D), jnp.float32)),
        mesh=mesh,
        compiler_params=pltpu.CompilerParams(use_tc_tiling_on_sc=False),
        scratch_types=[
            pltpu.VMEM((C, 16), jnp.float32),
            pltpu.VMEM((1, C), jnp.int32),
            pltpu.VMEM((1, C), jnp.int32),
            pltpu.VMEM((C, 16), jnp.float32),
            pltpu.VMEM((C, 16), jnp.float32),
            pltpu.VMEM((C, 16), jnp.float32),
            pltpu.VMEM((C, D), jnp.float32),
            pltpu.VMEM((24,), jnp.float32),
            pltpu.VMEM((16,), jnp.float32),
            pltpu.VMEM((16,), jnp.float32),
            pltpu.VMEM_SHARED((N, D), jnp.float32),
        ],
    )
    def agg_kernel(s3, tgt2_r, src2_r, v_r, den0_r, den1_r, m16_r, scale_r,
                   zacc_r, attn_out, parts_out,
                   s_v, t_v, r_v, d0_v, d1_v, a_v, vr_v, q_b, m_v, sc_v,
                   acc_sh):
        cc = lax.axis_index("c")
        ss = lax.axis_index("s")
        w = ss * NC + cc
        pltpu.sync_copy(zacc_r.at[pl.ds(ss * rows, rows)],
                        acc_sh.at[pl.ds(ss * rows, rows)])
        pltpu.sync_copy(m16_r, m_v)
        pltpu.sync_copy(scale_r, sc_v)
        plsc.subcore_barrier()
        mv = m_v[...]
        scv = sc_v[...]

        def chunk_body(k, carry):
            cid = w + NW * k

            @pl.when(cid < NCH)
            def _():
                pltpu.sync_copy(tgt2_r.at[cid], t_v)
                pltpu.sync_copy(src2_r.at[cid], r_v)
                pltpu.sync_copy(s3.at[cid], s_v)
                pltpu.sync_copy(den0_r.at[t_v.at[0]], d0_v)
                pltpu.sync_copy(den1_r.at[t_v.at[0]], d1_v)
                pltpu.sync_copy(v_r.at[r_v.at[0]], vr_v)

                def inner(i, c2):
                    p = jnp.exp(s_v[i] - mv)
                    d = (d0_v[i] + d1_v[i] + 1e-16) * scv
                    q = p / d
                    q_b[pl.ds(0, 16)] = q
                    u = q_b[pl.ds(8, 16)]
                    a = q - u
                    a_v[i] = a
                    for j in range(8):
                        wj = a[j]
                        col = 16 * j
                        vr_v[i, pl.ds(col, 16)] = vr_v[i, pl.ds(col, 16)] * wj
                    return c2
                lax.fori_loop(0, C, inner, 0)
                pltpu.sync_copy(a_v, attn_out.at[cid])
                pltpu.sync_copy(vr_v, acc_sh.at[t_v.at[0]], add=True)
            return carry

        lax.fori_loop(0, kmax, chunk_body, 0)
        plsc.subcore_barrier()
        pltpu.sync_copy(acc_sh.at[pl.ds(ss * rows, rows)],
                        parts_out.at[cc, pl.ds(ss * rows, rows)])

    return agg_kernel(S3, tgt2, src2, V, den0, den1, m16, scale16, zacc)



def kernel(x, edge_index, edge_attr, Wv, Wo, lq1, lk1, W1, b1, W2, b2):
    N, D = x.shape
    E = edge_attr.shape[0]
    H = 8

    lambda_init = 1.0 - math.exp(-1.0)
    lambda_1 = jnp.exp(jnp.sum(lq1 * lk1))
    beta = jax.nn.sigmoid(lambda_1 * lambda_init)

    src = edge_index[0].astype(jnp.int32)
    tgt = edge_index[1].astype(jnp.int32)

    perm = jnp.array([0, 2, 4, 6, 8, 10, 12, 14, 1, 3, 5, 7, 9, 11, 13, 15])
    W2p_t = W2[perm].T
    b2p = b2[perm]

    V = _vproj(x, Wv)
    S = _encoder(edge_attr, W1, b1, W2p_t, b2p)
    m = jnp.max(S)
    m16 = jnp.full((16,), m, jnp.float32)
    scale16 = jnp.where(jnp.arange(16) < 8, 1.0, 1.0 / beta).astype(jnp.float32)

    NCH = E // C
    Np = ((N + 127) // 128) * 128
    S3 = S.reshape(NCH, C, 16)
    tgt3 = tgt.reshape(NCH, 1, C)
    src3 = src.reshape(NCH, 1, C)
    zden = jnp.zeros((Np, 16), jnp.float32)
    zacc = jnp.zeros((Np, D), jnp.float32)

    den = _sc_denoms(S3, tgt3, m16, zden)
    attn16, parts = _sc_aggregate(S3, tgt3, src3, V, den[0], den[1],
                                  m16, scale16, zacc)
    out = _oproj(parts, Wo)[:N]
    attn = attn16.reshape(E, 16)[:, :H]
    return out, attn, beta

# --- scband reference (transcript-rebuilt; emitter-appended) ---
"""Pipeline reference for scband-sparse-multi-head-diff-attention-17849884082435 (READ-ONLY COPY).

The authoritative reference and input builder live on the scoring server;
editing this copy changes nothing except your own understanding.
"""

import jax, jax.numpy as jnp
import numpy as np
import math

N_NODES = 10000
N_EDGES = 320000
D = 128
H = 8
ED = 16


def setup_inputs(seed: int = 0) -> dict:
    key = jax.random.key(seed)
    ks = jax.random.split(key, 12)
    x = jax.random.normal(ks[0], (N_NODES, D), dtype=jnp.float32)
    edge_index = jax.random.randint(ks[1], (2, N_EDGES), 0, N_NODES)
    edge_attr = jax.random.normal(ks[2], (N_EDGES, ED), dtype=jnp.float32)
    Wv = jax.random.normal(ks[3], (D, D), dtype=jnp.float32) * (1.0 / math.sqrt(D))
    Wo = jax.random.normal(ks[4], (D, D), dtype=jnp.float32) * (1.0 / math.sqrt(D))
    lq1 = jax.random.normal(ks[5], (100,), dtype=jnp.float32) * 0.1
    lk1 = jax.random.normal(ks[6], (100,), dtype=jnp.float32) * 0.1
    W1 = jax.random.normal(ks[7], (D, ED), dtype=jnp.float32) * (1.0 / math.sqrt(ED))
    b1 = jnp.zeros((D,), dtype=jnp.float32)
    W2 = jax.random.normal(ks[8], (2 * H, D), dtype=jnp.float32) * (1.0 / math.sqrt(D))
    b2 = jnp.zeros((2 * H,), dtype=jnp.float32)
    return {"x": x, "edge_index": edge_index, "edge_attr": edge_attr,
            "Wv": Wv, "Wo": Wo, "lq1": lq1, "lk1": lk1,
            "W1": W1, "b1": b1, "W2": W2, "b2": b2}


def reference(x, edge_index, edge_attr, Wv, Wo, lq1, lk1, W1, b1, W2, b2):
    N = x.shape[0]
    lambda_init = 1.0 - math.exp(-1.0 / 1.0)  # depth = num_layers = 1
    # v_proj (no bias), view into heads of width 2*head_dim
    V = (x @ Wv.T).reshape(N, H, D // H)
    src = edge_index[0]
    tgt = edge_index[1]
    # edge_encoder: Linear -> GELU(exact) -> Linear
    hdn = jax.nn.gelu(edge_attr @ W1.T + b1, approximate=False)
    edge_scores = (hdn @ W2.T + b2).reshape(-1, H, 2)
    attn_scores_1 = edge_scores[:, :, 0]
    attn_scores_2 = edge_scores[:, :, 1]

    def scatter_softmax(s):
        m = jax.ops.segment_max(s, tgt, num_segments=N)
        m = jnp.where(jnp.isfinite(m), m, 0.0)
        e = jnp.exp(s - m[tgt])
        dnm = jax.ops.segment_sum(e, tgt, num_segments=N)
        return e / (dnm[tgt] + 1e-16)

    attn_weights_1 = scatter_softmax(attn_scores_1)
    attn_weights_2 = scatter_softmax(attn_scores_2)
    lambda_1 = jnp.exp(jnp.sum(lq1 * lk1))
    beta = jax.nn.sigmoid(lambda_1 * lambda_init)
    attn_weights = attn_weights_1 - beta * attn_weights_2
    # dropout p=0.0 -> identity
    V_src = V[src]
    weighted_V = attn_weights[..., None] * V_src
    out = jax.ops.segment_sum(weighted_V, tgt, num_segments=N).reshape(N, D)
    out = out @ Wo.T
    return (out, attn_weights, beta)

if __name__ == "__main__":
    import jax
    _d = setup_inputs()
    print(jax.jit(kernel)(*tuple(_d.values())))

</pallas_src>

<mosaic_0001>
#map = affine_map<(d0, d1) -> (0, 0, 0)>
#map1 = affine_map<(d0, d1) -> (0, 0)>
#map2 = affine_map<(d0, d1) -> (0)>
module attributes {stable_mosaic.version = 14 : i64} {
  func.func @agg_kernel(%arg0: i32, %arg1: i32, %arg2: memref<2500x128x16xf32, #tpu.memory_space<hbm>>, %arg3: memref<2500x1x128xi32, #tpu.memory_space<hbm>>, %arg4: memref<2500x1x128xi32, #tpu.memory_space<hbm>>, %arg5: memref<10000x128xf32, #tpu.memory_space<hbm>>, %arg6: memref<10112x16xf32, #tpu.memory_space<hbm>>, %arg7: memref<10112x16xf32, #tpu.memory_space<hbm>>, %arg8: memref<16xf32, #tpu.memory_space<hbm>>, %arg9: memref<16xf32, #tpu.memory_space<hbm>>, %arg10: memref<10112x128xf32, #tpu.memory_space<hbm>>, %arg11: memref<2500x128x16xf32, #tpu.memory_space<hbm>>, %arg12: memref<2x10112x128xf32, #tpu.memory_space<hbm>>, %arg13: memref<128x16xf32, #tpu.memory_space<vmem>>, %arg14: memref<1x128xi32, #tpu.memory_space<vmem>>, %arg15: memref<1x128xi32, #tpu.memory_space<vmem>>, %arg16: memref<128x16xf32, #tpu.memory_space<vmem>>, %arg17: memref<128x16xf32, #tpu.memory_space<vmem>>, %arg18: memref<128x16xf32, #tpu.memory_space<vmem>>, %arg19: memref<128x128xf32, #tpu.memory_space<vmem>>, %arg20: memref<24xf32, #tpu.memory_space<vmem>>, %arg21: memref<16xf32, #tpu.memory_space<vmem>>, %arg22: memref<16xf32, #tpu.memory_space<vmem>>, %arg23: memref<10112x128xf32, #tpu.memory_space<vmem_shared>>) attributes {dimension_semantics = [#tpu.dimension_semantics<core_parallel>, #tpu.dimension_semantics<subcore_parallel>], iteration_bounds = array<i64: 2, 16>, scalar_prefetch = 0 : i64, scratch_operands = 11 : i64, tpu.core_type = #tpu.core_type<sc_vector_subcore>, window_params = [{transform_indices = #map}, {transform_indices = #map}, {transform_indices = #map}, {transform_indices = #map1}, {transform_indices = #map1}, {transform_indices = #map1}, {transform_indices = #map2}, {transform_indices = #map2}, {transform_indices = #map1}, {transform_indices = #map}, {transform_indices = #map}]} {
    %mul3A = arith.constant 2 : i32
    %mul3A_0 = arith.muli %arg1, %mul3A : i32
    %add3A = arith.addi %mul3A_0, %arg0 : i32
    %mul3A_1 = arith.constant 632 : i32
    %mul3A_2 = arith.muli %arg1, %mul3A_1 : i32
    %mul3A_3 = arith.constant 632 : i32
    %mul3A_4 = arith.muli %arg1, %mul3A_3 : i32
    "tpu.region"() ({
      %run_scoped3A = tpu.sem_alloc : memref<!tpu.dma_semaphore, #tpu.memory_space<semaphore_mem>>
      %dma_start3A = arith.constant 0 : i32
      %dma_start3A_20 = tpu.memref_slice %arg23[%mul3A_4, %dma_start3A] : memref<10112x128xf32, #tpu.memory_space<vmem_shared>> -> memref<632x128xf32, #tpu.memory_space<vmem_shared>>
      %dma_start3A_21 = arith.constant 0 : i32
      %dma_start3A_22 = tpu.memref_slice %arg10[%mul3A_2, %dma_start3A_21] : memref<10112x128xf32, #tpu.memory_space<hbm>> -> memref<632x128xf32, #tpu.memory_space<hbm>>
      tpu.enqueue_dma source(%dma_start3A_22 : memref<632x128xf32, #tpu.memory_space<hbm>>) target(%dma_start3A_20 : memref<632x128xf32, #tpu.memory_space<vmem_shared>>) target_semaphore(%run_scoped3A : memref<!tpu.dma_semaphore, #tpu.memory_space<semaphore_mem>>)
      %dma_wait3A = arith.constant 0 : i32
      %dma_wait3A_23 = tpu.memref_slice %arg23[%mul3A_4, %dma_wait3A] : memref<10112x128xf32, #tpu.memory_space<vmem_shared>> -> memref<632x128xf32, #tpu.memory_space<vmem_shared>>
      %dma_wait3A_24 = arith.constant 0 : i32
      %dma_wait3A_25 = tpu.memref_slice %arg10[%mul3A_2, %dma_wait3A_24] : memref<10112x128xf32, #tpu.memory_space<hbm>> -> memref<632x128xf32, #tpu.memory_space<hbm>>
      tpu.wait_dma2 semaphore(%run_scoped3A : memref<!tpu.dma_semaphore, #tpu.memory_space<semaphore_mem>>) src(%dma_wait3A_25 : memref<632x128xf32, #tpu.memory_space<hbm>>) dst(%dma_wait3A_23 : memref<632x128xf32, #tpu.memory_space<vmem_shared>>)
      tpu.yield
    }) : () -> ()
    "tpu.region"() ({
      %run_scoped3A = tpu.sem_alloc : memref<!tpu.dma_semaphore, #tpu.memory_space<semaphore_mem>>
      tpu.enqueue_dma source(%arg8 : memref<16xf32, #tpu.memory_space<hbm>>) target(%arg21 : memref<16xf32, #tpu.memory_space<vmem>>) target_semaphore(%run_scoped3A : memref<!tpu.dma_semaphore, #tpu.memory_space<semaphore_mem>>)
      tpu.wait_dma2 semaphore(%run_scoped3A : memref<!tpu.dma_semaphore, #tpu.memory_space<semaphore_mem>>) src(%arg8 : memref<16xf32, #tpu.memory_space<hbm>>) dst(%arg21 : memref<16xf32, #tpu.memory_space<vmem>>)
      tpu.yield
    }) : () -> ()
    "tpu.region"() ({
      %run_scoped3A = tpu.sem_alloc : memref<!tpu.dma_semaphore, #tpu.memory_space<semaphore_mem>>
      tpu.enqueue_dma source(%arg9 : memref<16xf32, #tpu.memory_space<hbm>>) target(%arg22 : memref<16xf32, #tpu.memory_space<vmem>>) target_semaphore(%run_scoped3A : memref<!tpu.dma_semaphore, #tpu.memory_space<semaphore_mem>>)
      tpu.wait_dma2 semaphore(%run_scoped3A : memref<!tpu.dma_semaphore, #tpu.memory_space<semaphore_mem>>) src(%arg9 : memref<16xf32, #tpu.memory_space<hbm>>) dst(%arg22 : memref<16xf32, #tpu.memory_space<vmem>>)
      tpu.yield
    }) : () -> ()
    %barrier3A = arith.constant 0 : index
    tpu.barrier barrier_id(%barrier3A)
    %get3A = arith.constant 0 : index
    %get3A_5 = tpu.vector_load %arg21[%get3A] {strides = array<i32>} : memref<16xf32, #tpu.memory_space<vmem>>, vector<16xf32>,
    %get3A_6 = vector.shape_cast %get3A_5 : vector<16xf32> to vector<16xf32>
    %get3A_7 = arith.constant 0 : index
    %get3A_8 = tpu.vector_load %arg22[%get3A_7] {strides = array<i32>} : memref<16xf32, #tpu.memory_space<vmem>>, vector<16xf32>,
    %get3A_9 = vector.shape_cast %get3A_8 : vector<16xf32> to vector<16xf32>
    %scan3A = arith.constant 0 : i32
    %scan3A_10 = arith.constant 0 : i32
    %scan3A_11 = arith.constant 79 : i32
    %scan3A_12 = arith.addi %scan3A_10, %scan3A_11 : i32
    %scan3A_13 = arith.constant 1 : i32
    scf.for %scan3A_20 = %scan3A_10 to %scan3A_12 step %scan3A_13  : i32 {
      %mul3A_21 = arith.constant 32 : i32
      %mul3A_22 = arith.muli %mul3A_21, %scan3A_20 : i32
      %add3A_23 = arith.addi %add3A, %mul3A_22 : i32
      %lt3A = arith.constant 2500 : i32
      %lt3A_24 = arith.cmpi slt, %add3A_23, %lt3A : i32
      %convert_element_type3A = arith.extui %lt3A_24 : i1 to i32
      %cond3A = arith.constant 0 : i32
      %cond3A_25 = arith.cmpi ne, %convert_element_type3A, %cond3A : i32
      scf.if %cond3A_25 {
        "tpu.region"() ({
          %run_scoped3A_35 = tpu.sem_alloc : memref<!tpu.dma_semaphore, #tpu.memory_space<semaphore_mem>>
          %dma_start3A = arith.constant 0 : i32
          %dma_start3A_36 = arith.constant 0 : i32
          %dma_start3A_37 = tpu.memref_slice %arg3[%add3A_23, %dma_start3A, %dma_start3A_36] : memref<2500x1x128xi32, #tpu.memory_space<hbm>> -> memref<1x1x128xi32, #tpu.memory_space<hbm>>
          %dma_start3A_38 = tpu.memref_squeeze %dma_start3A_37 : memref<1x1x128xi32, #tpu.memory_space<hbm>> -> memref<1x128xi32, #tpu.memory_space<hbm>>
          %dma_start3A_39 = arith.constant 0 : i32
          %dma_start3A_40 = arith.constant 0 : i32
          %dma_start3A_41 = tpu.memref_slice %arg3[%add3A_23, %dma_start3A_39, %dma_start3A_40] : memref<2500x1x128xi32, #tpu.memory_space<hbm>> -> memref<1x1x128xi32, #tpu.memory_space<hbm>>
          %dma_start3A_42 = tpu.memref_squeeze %dma_start3A_41 : memref<1x1x128xi32, #tpu.memory_space<hbm>> -> memref<1x128xi32, #tpu.memory_space<hbm>>
          tpu.enqueue_dma source(%dma_start3A_42 : memref<1x128xi32, #tpu.memory_space<hbm>>) target(%arg14 : memref<1x128xi32, #tpu.memory_space<vmem>>) target_semaphore(%run_scoped3A_35 : memref<!tpu.dma_semaphore, #tpu.memory_space<semaphore_mem>>)
          %dma_wait3A = arith.constant 0 : i32
          %dma_wait3A_43 = arith.constant 0 : i32
          %dma_wait3A_44 = tpu.memref_slice %arg3[%add3A_23, %dma_wait3A, %dma_wait3A_43] : memref<2500x1x128xi32, #tpu.memory_space<hbm>> -> memref<1x1x128xi32, #tpu.memory_space<hbm>>
          %dma_wait3A_45 = tpu.memref_squeeze %dma_wait3A_44 : memref<1x1x128xi32, #tpu.memory_space<hbm>> -> memref<1x128xi32, #tpu.memory_space<hbm>>
          %dma_wait3A_46 = arith.constant 0 : i32
          %dma_wait3A_47 = arith.constant 0 : i32
          %dma_wait3A_48 = tpu.memref_slice %arg3[%add3A_23, %dma_wait3A_46, %dma_wait3A_47] : memref<2500x1x128xi32, #tpu.memory_space<hbm>> -> memref<1x1x128xi32, #tpu.memory_space<hbm>>
          %dma_wait3A_49 = tpu.memref_squeeze %dma_wait3A_48 : memref<1x1x128xi32, #tpu.memory_space<hbm>> -> memref<1x128xi32, #tpu.memory_space<hbm>>
          tpu.wait_dma2 semaphore(%run_scoped3A_35 : memref<!tpu.dma_semaphore, #tpu.memory_space<semaphore_mem>>) src(%dma_wait3A_49 : memref<1x128xi32, #tpu.memory_space<hbm>>) dst(%arg14 : memref<1x128xi32, #tpu.memory_space<vmem>>)
          tpu.yield
        }) : () -> ()
        "tpu.region"() ({
          %run_scoped3A_35 = tpu.sem_alloc : memref<!tpu.dma_semaphore, #tpu.memory_space<semaphore_mem>>
          %dma_start3A = arith.constant 0 : i32
          %dma_start3A_36 = arith.constant 0 : i32
          %dma_start3A_37 = tpu.memref_slice %arg4[%add3A_23, %dma_start3A, %dma_start3A_36] : memref<2500x1x128xi32, #tpu.memory_space<hbm>> -> memref<1x1x128xi32, #tpu.memory_space<hbm>>
          %dma_start3A_38 = tpu.memref_squeeze %dma_start3A_37 : memref<1x1x128xi32, #tpu.memory_space<hbm>> -> memref<1x128xi32, #tpu.memory_space<hbm>>
          %dma_start3A_39 = arith.constant 0 : i32
          %dma_start3A_40 = arith.constant 0 : i32
          %dma_start3A_41 = tpu.memref_slice %arg4[%add3A_23, %dma_start3A_39, %dma_start3A_40] : memref<2500x1x128xi32, #tpu.memory_space<hbm>> -> memref<1x1x128xi32, #tpu.memory_space<hbm>>
          %dma_start3A_42 = tpu.memref_squeeze %dma_start3A_41 : memref<1x1x128xi32, #tpu.memory_space<hbm>> -> memref<1x128xi32, #tpu.memory_space<hbm>>
          tpu.enqueue_dma source(%dma_start3A_42 : memref<1x128xi32, #tpu.memory_space<hbm>>) target(%arg15 : memref<1x128xi32, #tpu.memory_space<vmem>>) target_semaphore(%run_scoped3A_35 : memref<!tpu.dma_semaphore, #tpu.memory_space<semaphore_mem>>)
          %dma_wait3A = arith.constant 0 : i32
          %dma_wait3A_43 = arith.constant 0 : i32
          %dma_wait3A_44 = tpu.memref_slice %arg4[%add3A_23, %dma_wait3A, %dma_wait3A_43] : memref<2500x1x128xi32, #tpu.memory_space<hbm>> -> memref<1x1x128xi32, #tpu.memory_space<hbm>>
          %dma_wait3A_45 = tpu.memref_squeeze %dma_wait3A_44 : memref<1x1x128xi32, #tpu.memory_space<hbm>> -> memref<1x128xi32, #tpu.memory_space<hbm>>
          %dma_wait3A_46 = arith.constant 0 : i32
          %dma_wait3A_47 = arith.constant 0 : i32
          %dma_wait3A_48 = tpu.memref_slice %arg4[%add3A_23, %dma_wait3A_46, %dma_wait3A_47] : memref<2500x1x128xi32, #tpu.memory_space<hbm>> -> memref<1x1x128xi32, #tpu.memory_space<hbm>>
          %dma_wait3A_49 = tpu.memref_squeeze %dma_wait3A_48 : memref<1x1x128xi32, #tpu.memory_space<hbm>> -> memref<1x128xi32, #tpu.memory_space<hbm>>
          tpu.wait_dma2 semaphore(%run_scoped3A_35 : memref<!tpu.dma_semaphore, #tpu.memory_space<semaphore_mem>>) src(%dma_wait3A_49 : memref<1x128xi32, #tpu.memory_space<hbm>>) dst(%arg15 : memref<1x128xi32, #tpu.memory_space<vmem>>)
          tpu.yield
        }) : () -> ()
        "tpu.region"() ({
          %run_scoped3A_35 = tpu.sem_alloc : memref<!tpu.dma_semaphore, #tpu.memory_space<semaphore_mem>>
          %dma_start3A = arith.constant 0 : i32
          %dma_start3A_36 = arith.constant 0 : i32
          %dma_start3A_37 = tpu.memref_slice %arg2[%add3A_23, %dma_start3A, %dma_start3A_36] : memref<2500x128x16xf32, #tpu.memory_space<hbm>> -> memref<1x128x16xf32, #tpu.memory_space<hbm>>
          %dma_start3A_38 = tpu.memref_squeeze %dma_start3A_37 : memref<1x128x16xf32, #tpu.memory_space<hbm>> -> memref<128x16xf32, #tpu.memory_space<hbm>>
          %dma_start3A_39 = arith.constant 0 : i32
          %dma_start3A_40 = arith.constant 0 : i32
          %dma_start3A_41 = tpu.memref_slice %arg2[%add3A_23, %dma_start3A_39, %dma_start3A_40] : memref<2500x128x16xf32, #tpu.memory_space<hbm>> -> memref<1x128x16xf32, #tpu.memory_space<hbm>>
          %dma_start3A_42 = tpu.memref_squeeze %dma_start3A_41 : memref<1x128x16xf32, #tpu.memory_space<hbm>> -> memref<128x16xf32, #tpu.memory_space<hbm>>
          tpu.enqueue_dma source(%dma_start3A_42 : memref<128x16xf32, #tpu.memory_space<hbm>>) target(%arg13 : memref<128x16xf32, #tpu.memory_space<vmem>>) target_semaphore(%run_scoped3A_35 : memref<!tpu.dma_semaphore, #tpu.memory_space<semaphore_mem>>)
          %dma_wait3A = arith.constant 0 : i32
          %dma_wait3A_43 = arith.constant 0 : i32
          %dma_wait3A_44 = tpu.memref_slice %arg2[%add3A_23, %dma_wait3A, %dma_wait3A_43] : memref<2500x128x16xf32, #tpu.memory_space<hbm>> -> memref<1x128x16xf32, #tpu.memory_space<hbm>>
          %dma_wait3A_45 = tpu.memref_squeeze %dma_wait3A_44 : memref<1x128x16xf32, #tpu.memory_space<hbm>> -> memref<128x16xf32, #tpu.memory_space<hbm>>
          %dma_wait3A_46 = arith.constant 0 : i32
          %dma_wait3A_47 = arith.constant 0 : i32
          %dma_wait3A_48 = tpu.memref_slice %arg2[%add3A_23, %dma_wait3A_46, %dma_wait3A_47] : memref<2500x128x16xf32, #tpu.memory_space<hbm>> -> memref<1x128x16xf32, #tpu.memory_space<hbm>>
          %dma_wait3A_49 = tpu.memref_squeeze %dma_wait3A_48 : memref<1x128x16xf32, #tpu.memory_space<hbm>> -> memref<128x16xf32, #tpu.memory_space<hbm>>
          tpu.wait_dma2 semaphore(%run_scoped3A_35 : memref<!tpu.dma_semaphore, #tpu.memory_space<semaphore_mem>>) src(%dma_wait3A_49 : memref<128x16xf32, #tpu.memory_space<hbm>>) dst(%arg13 : memref<128x16xf32, #tpu.memory_space<vmem>>)
          tpu.yield
        }) : () -> ()
        %run_scoped3A = arith.constant 0 : i32
        "tpu.region"() ({
          %run_scoped3A_35 = tpu.sem_alloc : memref<!tpu.dma_semaphore, #tpu.memory_space<semaphore_mem>>
          %dma_start3A = arith.constant 0 : i32
          %dma_start3A_36 = tpu.memref_slice %arg14[%run_scoped3A, %dma_start3A] : memref<1x128xi32, #tpu.memory_space<vmem>> -> memref<1x128xi32, #tpu.memory_space<vmem>>
          %dma_start3A_37 = tpu.memref_squeeze %dma_start3A_36 : memref<1x128xi32, #tpu.memory_space<vmem>> -> memref<128xi32, #tpu.memory_space<vmem>>
          %dma_start3A_38 = arith.constant 0 : i32
          %dma_start3A_39 = arith.constant 0 : i32
          %dma_start3A_40 = tpu.memref_slice %arg6[%dma_start3A_38, %dma_start3A_39] : memref<10112x16xf32, #tpu.memory_space<hbm>> -> memref<10112x16xf32, #tpu.memory_space<hbm>>
          tpu.enqueue_indirect_dma source(%dma_start3A_40 : memref<10112x16xf32, #tpu.memory_space<hbm>>) target(%arg16 : memref<128x16xf32, #tpu.memory_space<vmem>>) offsets(%dma_start3A_37 : memref<128xi32, #tpu.memory_space<vmem>>) semaphore(%run_scoped3A_35 : memref<!tpu.dma_semaphore, #tpu.memory_space<semaphore_mem>>)
          %dma_wait3A = arith.constant 0 : i32
          %dma_wait3A_41 = tpu.memref_slice %arg14[%run_scoped3A, %dma_wait3A] : memref<1x128xi32, #tpu.memory_space<vmem>> -> memref<1x128xi32, #tpu.memory_space<vmem>>
          %dma_wait3A_42 = tpu.memref_squeeze %dma_wait3A_41 : memref<1x128xi32, #tpu.memory_space<vmem>> -> memref<128xi32, #tpu.memory_space<vmem>>
          %dma_wait3A_43 = arith.constant 0 : i32
          %dma_wait3A_44 = arith.constant 0 : i32
          %dma_wait3A_45 = tpu.memref_slice %arg6[%dma_wait3A_43, %dma_wait3A_44] : memref<10112x16xf32, #tpu.memory_space<hbm>> -> memref<10112x16xf32, #tpu.memory_space<hbm>>
          tpu.wait_indirect_dma semaphore(%run_scoped3A_35 : memref<!tpu.dma_semaphore, #tpu.memory_space<semaphore_mem>>) src(%dma_wait3A_45 : memref<10112x16xf32, #tpu.memory_space<hbm>>) dst(%arg16 : memref<128x16xf32, #tpu.memory_space<vmem>>)
          tpu.yield
        }) : () -> ()
        %run_scoped3A_26 = arith.constant 0 : i32
        "tpu.region"() ({
          %run_scoped3A_35 = tpu.sem_alloc : memref<!tpu.dma_semaphore, #tpu.memory_space<semaphore_mem>>
          %dma_start3A = arith.constant 0 : i32
          %dma_start3A_36 = tpu.memref_slice %arg14[%run_scoped3A_26, %dma_start3A] : memref<1x128xi32, #tpu.memory_space<vmem>> -> memref<1x128xi32, #tpu.memory_space<vmem>>
          %dma_start3A_37 = tpu.memref_squeeze %dma_start3A_36 : memref<1x128xi32, #tpu.memory_space<vmem>> -> memref<128xi32, #tpu.memory_space<vmem>>
          %dma_start3A_38 = arith.constant 0 : i32
          %dma_start3A_39 = arith.constant 0 : i32
          %dma_start3A_40 = tpu.memref_slice %arg7[%dma_start3A_38, %dma_start3A_39] : memref<10112x16xf32, #tpu.memory_space<hbm>> -> memref<10112x16xf32, #tpu.memory_space<hbm>>
          tpu.enqueue_indirect_dma source(%dma_start3A_40 : memref<10112x16xf32, #tpu.memory_space<hbm>>) target(%arg17 : memref<128x16xf32, #tpu.memory_space<vmem>>) offsets(%dma_start3A_37 : memref<128xi32, #tpu.memory_space<vmem>>) semaphore(%run_scoped3A_35 : memref<!tpu.dma_semaphore, #tpu.memory_space<semaphore_mem>>)
          %dma_wait3A = arith.constant 0 : i32
          %dma_wait3A_41 = tpu.memref_slice %arg14[%run_scoped3A_26, %dma_wait3A] : memref<1x128xi32, #tpu.memory_space<vmem>> -> memref<1x128xi32, #tpu.memory_space<vmem>>
          %dma_wait3A_42 = tpu.memref_squeeze %dma_wait3A_41 : memref<1x128xi32, #tpu.memory_space<vmem>> -> memref<128xi32, #tpu.memory_space<vmem>>
          %dma_wait3A_43 = arith.constant 0 : i32
          %dma_wait3A_44 = arith.constant 0 : i32
          %dma_wait3A_45 = tpu.memref_slice %arg7[%dma_wait3A_43, %dma_wait3A_44] : memref<10112x16xf32, #tpu.memory_space<hbm>> -> memref<10112x16xf32, #tpu.memory_space<hbm>>
          tpu.wait_indirect_dma semaphore(%run_scoped3A_35 : memref<!tpu.dma_semaphore, #tpu.memory_space<semaphore_mem>>) src(%dma_wait3A_45 : memref<10112x16xf32, #tpu.memory_space<hbm>>) dst(%arg17 : memref<128x16xf32, #tpu.memory_space<vmem>>)
          tpu.yield
        }) : () -> ()
        %run_scoped3A_27 = arith.constant 0 : i32
        "tpu.region"() ({
          %run_scoped3A_35 = tpu.sem_alloc : memref<!tpu.dma_semaphore, #tpu.memory_space<semaphore_mem>>
          %dma_start3A = arith.constant 0 : i32
          %dma_start3A_36 = tpu.memref_slice %arg15[%run_scoped3A_27, %dma_start3A] : memref<1x128xi32, #tpu.memory_space<vmem>> -> memref<1x128xi32, #tpu.memory_space<vmem>>
          %dma_start3A_37 = tpu.memref_squeeze %dma_start3A_36 : memref<1x128xi32, #tpu.memory_space<vmem>> -> memref<128xi32, #tpu.memory_space<vmem>>
          %dma_start3A_38 = arith.constant 0 : i32
          %dma_start3A_39 = arith.constant 0 : i32
          %dma_start3A_40 = tpu.memref_slice %arg5[%dma_start3A_38, %dma_start3A_39] : memref<10000x128xf32, #tpu.memory_space<hbm>> -> memref<10000x128xf32, #tpu.memory_space<hbm>>
          tpu.enqueue_indirect_dma source(%dma_start3A_40 : memref<10000x128xf32, #tpu.memory_space<hbm>>) target(%arg19 : memref<128x128xf32, #tpu.memory_space<vmem>>) offsets(%dma_start3A_37 : memref<128xi32, #tpu.memory_space<vmem>>) semaphore(%run_scoped3A_35 : memref<!tpu.dma_semaphore, #tpu.memory_space<semaphore_mem>>)
          %dma_wait3A = arith.constant 0 : i32
          %dma_wait3A_41 = tpu.memref_slice %arg15[%run_scoped3A_27, %dma_wait3A] : memref<1x128xi32, #tpu.memory_space<vmem>> -> memref<1x128xi32, #tpu.memory_space<vmem>>
          %dma_wait3A_42 = tpu.memref_squeeze %dma_wait3A_41 : memref<1x128xi32, #tpu.memory_space<vmem>> -> memref<128xi32, #tpu.memory_space<vmem>>
          %dma_wait3A_43 = arith.constant 0 : i32
          %dma_wait3A_44 = arith.constant 0 : i32
          %dma_wait3A_45 = tpu.memref_slice %arg5[%dma_wait3A_43, %dma_wait3A_44] : memref<10000x128xf32, #tpu.memory_space<hbm>> -> memref<10000x128xf32, #tpu.memory_space<hbm>>
          tpu.wait_indirect_dma semaphore(%run_scoped3A_35 : memref<!tpu.dma_semaphore, #tpu.memory_space<semaphore_mem>>) src(%dma_wait3A_45 : memref<10000x128xf32, #tpu.memory_space<hbm>>) dst(%arg19 : memref<128x128xf32, #tpu.memory_space<vmem>>)
          tpu.yield
        }) : () -> ()
        %scan3A_28 = arith.constant 0 : i32
        %scan3A_29 = arith.constant 0 : i32
        %scan3A_30 = arith.constant 128 : i32
        %scan3A_31 = arith.addi %scan3A_29, %scan3A_30 : i32
        %scan3A_32 = arith.constant 1 : i32
        scf.for %scan3A_35 = %scan3A_29 to %scan3A_31 step %scan3A_32  : i32 {
          %get3A_36 = arith.index_cast %scan3A_35 : i32 to index
          %get3A_37 = arith.constant 0 : index
          %get3A_38 = tpu.vector_load %arg13[%get3A_36, %get3A_37] {strides = array<i32>} : memref<128x16xf32, #tpu.memory_space<vmem>>, vector<1x16xf32>,
          %get3A_39 = vector.shape_cast %get3A_38 : vector<1x16xf32> to vector<16xf32>
          %sub3A = arith.subf %get3A_39, %get3A_6 : vector<16xf32>
          %exp3A = math.exp %sub3A : vector<16xf32>
          %get3A_40 = arith.index_cast %scan3A_35 : i32 to index
          %get3A_41 = arith.constant 0 : index
          %get3A_42 = tpu.vector_load %arg16[%get3A_40, %get3A_41] {strides = array<i32>} : memref<128x16xf32, #tpu.memory_space<vmem>>, vector<1x16xf32>,
          %get3A_43 = vector.shape_cast %get3A_42 : vector<1x16xf32> to vector<16xf32>
          %get3A_44 = arith.index_cast %scan3A_35 : i32 to index
          %get3A_45 = arith.constant 0 : index
          %get3A_46 = tpu.vector_load %arg17[%get3A_44, %get3A_45] {strides = array<i32>} : memref<128x16xf32, #tpu.memory_space<vmem>>, vector<1x16xf32>,
          %get3A_47 = vector.shape_cast %get3A_46 : vector<1x16xf32> to vector<16xf32>
          %add3A_48 = arith.addf %get3A_43, %get3A_47 : vector<16xf32>
          %add3A_49 = arith.constant 1.000000e-16 : f32
          %add3A_50 = vector.broadcast %add3A_49 : f32 to vector<16xf32>
          %add3A_51 = arith.addf %add3A_48, %add3A_50 : vector<16xf32>
          %mul3A_52 = arith.mulf %add3A_51, %get3A_9 : vector<16xf32>
          %div3A = arith.divf %exp3A, %mul3A_52 : vector<16xf32>
          %swap3A = arith.constant 0 : index
          %swap3A_53 = tpu.vector_load %arg20[%swap3A] {strides = array<i32>} : memref<24xf32, #tpu.memory_space<vmem>>, vector<16xf32>,
          %swap3A_54 = vector.shape_cast %swap3A_53 : vector<16xf32> to vector<16xf32>
          %swap3A_55 = vector.shape_cast %div3A : vector<16xf32> to vector<16xf32>
          tpu.vector_store %arg20[%swap3A], %swap3A_55 {strides = array<i32>} : memref<24xf32, #tpu.memory_space<vmem>>, vector<16xf32>,
          %get3A_56 = arith.constant 8 : index
          %get3A_57 = tpu.vector_load %arg20[%get3A_56] {strides = array<i32>} : memref<24xf32, #tpu.memory_space<vmem>>, vector<16xf32>,
          %get3A_58 = vector.shape_cast %get3A_57 : vector<16xf32> to vector<16xf32>
          %sub3A_59 = arith.subf %div3A, %get3A_58 : vector<16xf32>
          %swap3A_60 = arith.index_cast %scan3A_35 : i32 to index
          %swap3A_61 = arith.constant 0 : index
          %swap3A_62 = tpu.vector_load %arg18[%swap3A_60, %swap3A_61] {strides = array<i32>} : memref<128x16xf32, #tpu.memory_space<vmem>>, vector<1x16xf32>,
          %swap3A_63 = vector.shape_cast %swap3A_62 : vector<1x16xf32> to vector<16xf32>
          %swap3A_64 = vector.shape_cast %sub3A_59 : vector<16xf32> to vector<1x16xf32>
          tpu.vector_store %arg18[%swap3A_60, %swap3A_61], %swap3A_64 {strides = array<i32>} : memref<128x16xf32, #tpu.memory_space<vmem>>, vector<1x16xf32>,
          %slice3A = vector.extract_strided_slice %sub3A_59 {offsets = [0], sizes = [1], strides = [1]} : vector<16xf32> to vector<1xf32>
          %squeeze3A = vector.extract %slice3A[0] : f32 from vector<1xf32>
          %get3A_65 = arith.index_cast %scan3A_35 : i32 to index
          %get3A_66 = arith.constant 0 : index
          %get3A_67 = tpu.vector_load %arg19[%get3A_65, %get3A_66] {strides = array<i32>} : memref<128x128xf32, #tpu.memory_space<vmem>>, vector<1x16xf32>,
          %get3A_68 = vector.shape_cast %get3A_67 : vector<1x16xf32> to vector<16xf32>
          %mul3A_69 = vector.broadcast %squeeze3A : f32 to vector<16xf32>
          %mul3A_70 = arith.mulf %get3A_68, %mul3A_69 : vector<16xf32>
          %swap3A_71 = arith.index_cast %scan3A_35 : i32 to index
          %swap3A_72 = arith.constant 0 : index
          %swap3A_73 = tpu.vector_load %arg19[%swap3A_71, %swap3A_72] {strides = array<i32>} : memref<128x128xf32, #tpu.memory_space<vmem>>, vector<1x16xf32>,
          %swap3A_74 = vector.shape_cast %swap3A_73 : vector<1x16xf32> to vector<16xf32>
          %swap3A_75 = vector.shape_cast %mul3A_70 : vector<16xf32> to vector<1x16xf32>
          tpu.vector_store %arg19[%swap3A_71, %swap3A_72], %swap3A_75 {strides = array<i32>} : memref<128x128xf32, #tpu.memory_space<vmem>>, vector<1x16xf32>,
          %slice3A_76 = vector.extract_strided_slice %sub3A_59 {offsets = [1], sizes = [1], strides = [1]} : vector<16xf32> to vector<1xf32>
          %squeeze3A_77 = vector.extract %slice3A_76[0] : f32 from vector<1xf32>
          %get3A_78 = arith.index_cast %scan3A_35 : i32 to index
          %get3A_79 = arith.constant 16 : index
          %get3A_80 = tpu.vector_load %arg19[%get3A_78, %get3A_79] {strides = array<i32>} : memref<128x128xf32, #tpu.memory_space<vmem>>, vector<1x16xf32>,
          %get3A_81 = vector.shape_cast %get3A_80 : vector<1x16xf32> to vector<16xf32>
          %mul3A_82 = vector.broadcast %squeeze3A_77 : f32 to vector<16xf32>
          %mul3A_83 = arith.mulf %get3A_81, %mul3A_82 : vector<16xf32>
          %swap3A_84 = arith.index_cast %scan3A_35 : i32 to index
          %swap3A_85 = arith.constant 16 : index
          %swap3A_86 = tpu.vector_load %arg19[%swap3A_84, %swap3A_85] {strides = array<i32>} : memref<128x128xf32, #tpu.memory_space<vmem>>, vector<1x16xf32>,
          %swap3A_87 = vector.shape_cast %swap3A_86 : vector<1x16xf32> to vector<16xf32>
          %swap3A_88 = vector.shape_cast %mul3A_83 : vector<16xf32> to vector<1x16xf32>
          tpu.vector_store %arg19[%swap3A_84, %swap3A_85], %swap3A_88 {strides = array<i32>} : memref<128x128xf32, #tpu.memory_space<vmem>>, vector<1x16xf32>,
          %slice3A_89 = vector.extract_strided_slice %sub3A_59 {offsets = [2], sizes = [1], strides = [1]} : vector<16xf32> to vector<1xf32>
          %squeeze3A_90 = vector.extract %slice3A_89[0] : f32 from vector<1xf32>
          %get3A_91 = arith.index_cast %scan3A_35 : i32 to index
          %get3A_92 = arith.constant 32 : index
          %get3A_93 = tpu.vector_load %arg19[%get3A_91, %get3A_92] {strides = array<i32>} : memref<128x128xf32, #tpu.memory_space<vmem>>, vector<1x16xf32>,
          %get3A_94 = vector.shape_cast %get3A_93 : vector<1x16xf32> to vector<16xf32>
          %mul3A_95 = vector.broadcast %squeeze3A_90 : f32 to vector<16xf32>
          %mul3A_96 = arith.mulf %get3A_94, %mul3A_95 : vector<16xf32>
          %swap3A_97 = arith.index_cast %scan3A_35 : i32 to index
          %swap3A_98 = arith.constant 32 : index
          %swap3A_99 = tpu.vector_load %arg19[%swap3A_97, %swap3A_98] {strides = array<i32>} : memref<128x128xf32, #tpu.memory_space<vmem>>, vector<1x16xf32>,
          %swap3A_100 = vector.shape_cast %swap3A_99 : vector<1x16xf32> to vector<16xf32>
          %swap3A_101 = vector.shape_cast %mul3A_96 : vector<16xf32> to vector<1x16xf32>
          tpu.vector_store %arg19[%swap3A_97, %swap3A_98], %swap3A_101 {strides = array<i32>} : memref<128x128xf32, #tpu.memory_space<vmem>>, vector<1x16xf32>,
          %slice3A_102 = vector.extract_strided_slice %sub3A_59 {offsets = [3], sizes = [1], strides = [1]} : vector<16xf32> to vector<1xf32>
          %squeeze3A_103 = vector.extract %slice3A_102[0] : f32 from vector<1xf32>
          %get3A_104 = arith.index_cast %scan3A_35 : i32 to index
          %get3A_105 = arith.constant 48 : index
          %get3A_106 = tpu.vector_load %arg19[%get3A_104, %get3A_105] {strides = array<i32>} : memref<128x128xf32, #tpu.memory_space<vmem>>, vector<1x16xf32>,
          %get3A_107 = vector.shape_cast %get3A_106 : vector<1x16xf32> to vector<16xf32>
          %mul3A_108 = vector.broadcast %squeeze3A_103 : f32 to vector<16xf32>
          %mul3A_109 = arith.mulf %get3A_107, %mul3A_108 : vector<16xf32>
          %swap3A_110 = arith.index_cast %scan3A_35 : i32 to index
          %swap3A_111 = arith.constant 48 : index
          %swap3A_112 = tpu.vector_load %arg19[%swap3A_110, %swap3A_111] {strides = array<i32>} : memref<128x128xf32, #tpu.memory_space<vmem>>, vector<1x16xf32>,
          %swap3A_113 = vector.shape_cast %swap3A_112 : vector<1x16xf32> to vector<16xf32>
          %swap3A_114 = vector.shape_cast %mul3A_109 : vector<16xf32> to vector<1x16xf32>
          tpu.vector_store %arg19[%swap3A_110, %swap3A_111], %swap3A_114 {strides = array<i32>} : memref<128x128xf32, #tpu.memory_space<vmem>>, vector<1x16xf32>,
          %slice3A_115 = vector.extract_strided_slice %sub3A_59 {offsets = [4], sizes = [1], strides = [1]} : vector<16xf32> to vector<1xf32>
          %squeeze3A_116 = vector.extract %slice3A_115[0] : f32 from vector<1xf32>
          %get3A_117 = arith.index_cast %scan3A_35 : i32 to index
          %get3A_118 = arith.constant 64 : index
          %get3A_119 = tpu.vector_load %arg19[%get3A_117, %get3A_118] {strides = array<i32>} : memref<128x128xf32, #tpu.memory_space<vmem>>, vector<1x16xf32>,
          %get3A_120 = vector.shape_cast %get3A_119 : vector<1x16xf32> to vector<16xf32>
          %mul3A_121 = vector.broadcast %squeeze3A_116 : f32 to vector<16xf32>
          %mul3A_122 = arith.mulf %get3A_120, %mul3A_121 : vector<16xf32>
          %swap3A_123 = arith.index_cast %scan3A_35 : i32 to index
          %swap3A_124 = arith.constant 64 : index
          %swap3A_125 = tpu.vector_load %arg19[%swap3A_123, %swap3A_124] {strides = array<i32>} : memref<128x128xf32, #tpu.memory_space<vmem>>, vector<1x16xf32>,
          %swap3A_126 = vector.shape_cast %swap3A_125 : vector<1x16xf32> to vector<16xf32>
          %swap3A_127 = vector.shape_cast %mul3A_122 : vector<16xf32> to vector<1x16xf32>
          tpu.vector_store %arg19[%swap3A_123, %swap3A_124], %swap3A_127 {strides = array<i32>} : memref<128x128xf32, #tpu.memory_space<vmem>>, vector<1x16xf32>,
          %slice3A_128 = vector.extract_strided_slice %sub3A_59 {offsets = [5], sizes = [1], strides = [1]} : vector<16xf32> to vector<1xf32>
          %squeeze3A_129 = vector.extract %slice3A_128[0] : f32 from vector<1xf32>
          %get3A_130 = arith.index_cast %scan3A_35 : i32 to index
          %get3A_131 = arith.constant 80 : index
          %get3A_132 = tpu.vector_load %arg19[%get3A_130, %get3A_131] {strides = array<i32>} : memref<128x128xf32, #tpu.memory_space<vmem>>, vector<1x16xf32>,
          %get3A_133 = vector.shape_cast %get3A_132 : vector<1x16xf32> to vector<16xf32>
          %mul3A_134 = vector.broadcast %squeeze3A_129 : f32 to vector<16xf32>
          %mul3A_135 = arith.mulf %get3A_133, %mul3A_134 : vector<16xf32>
          %swap3A_136 = arith.index_cast %scan3A_35 : i32 to index
          %swap3A_137 = arith.constant 80 : index
          %swap3A_138 = tpu.vector_load %arg19[%swap3A_136, %swap3A_137] {strides = array<i32>} : memref<128x128xf32, #tpu.memory_space<vmem>>, vector<1x16xf32>,
          %swap3A_139 = vector.shape_cast %swap3A_138 : vector<1x16xf32> to vector<16xf32>
          %swap3A_140 = vector.shape_cast %mul3A_135 : vector<16xf32> to vector<1x16xf32>
          tpu.vector_store %arg19[%swap3A_136, %swap3A_137], %swap3A_140 {strides = array<i32>} : memref<128x128xf32, #tpu.memory_space<vmem>>, vector<1x16xf32>,
          %slice3A_141 = vector.extract_strided_slice %sub3A_59 {offsets = [6], sizes = [1], strides = [1]} : vector<16xf32> to vector<1xf32>
          %squeeze3A_142 = vector.extract %slice3A_141[0] : f32 from vector<1xf32>
          %get3A_143 = arith.index_cast %scan3A_35 : i32 to index
          %get3A_144 = arith.constant 96 : index
          %get3A_145 = tpu.vector_load %arg19[%get3A_143, %get3A_144] {strides = array<i32>} : memref<128x128xf32, #tpu.memory_space<vmem>>, vector<1x16xf32>,
          %get3A_146 = vector.shape_cast %get3A_145 : vector<1x16xf32> to vector<16xf32>
          %mul3A_147 = vector.broadcast %squeeze3A_142 : f32 to vector<16xf32>
          %mul3A_148 = arith.mulf %get3A_146, %mul3A_147 : vector<16xf32>
          %swap3A_149 = arith.index_cast %scan3A_35 : i32 to index
          %swap3A_150 = arith.constant 96 : index
          %swap3A_151 = tpu.vector_load %arg19[%swap3A_149, %swap3A_150] {strides = array<i32>} : memref<128x128xf32, #tpu.memory_space<vmem>>, vector<1x16xf32>,
          %swap3A_152 = vector.shape_cast %swap3A_151 : vector<1x16xf32> to vector<16xf32>
          %swap3A_153 = vector.shape_cast %mul3A_148 : vector<16xf32> to vector<1x16xf32>
          tpu.vector_store %arg19[%swap3A_149, %swap3A_150], %swap3A_153 {strides = array<i32>} : memref<128x128xf32, #tpu.memory_space<vmem>>, vector<1x16xf32>,
          %slice3A_154 = vector.extract_strided_slice %sub3A_59 {offsets = [7], sizes = [1], strides = [1]} : vector<16xf32> to vector<1xf32>
          %squeeze3A_155 = vector.extract %slice3A_154[0] : f32 from vector<1xf32>
          %get3A_156 = arith.index_cast %scan3A_35 : i32 to index
          %get3A_157 = arith.constant 112 : index
          %get3A_158 = tpu.vector_load %arg19[%get3A_156, %get3A_157] {strides = array<i32>} : memref<128x128xf32, #tpu.memory_space<vmem>>, vector<1x16xf32>,
          %get3A_159 = vector.shape_cast %get3A_158 : vector<1x16xf32> to vector<16xf32>
          %mul3A_160 = vector.broadcast %squeeze3A_155 : f32 to vector<16xf32>
          %mul3A_161 = arith.mulf %get3A_159, %mul3A_160 : vector<16xf32>
          %swap3A_162 = arith.index_cast %scan3A_35 : i32 to index
          %swap3A_163 = arith.constant 112 : index
          %swap3A_164 = tpu.vector_load %arg19[%swap3A_162, %swap3A_163] {strides = array<i32>} : memref<128x128xf32, #tpu.memory_space<vmem>>, vector<1x16xf32>,
          %swap3A_165 = vector.shape_cast %swap3A_164 : vector<1x16xf32> to vector<16xf32>
          %swap3A_166 = vector.shape_cast %mul3A_161 : vector<16xf32> to vector<1x16xf32>
          tpu.vector_store %arg19[%swap3A_162, %swap3A_163], %swap3A_166 {strides = array<i32>} : memref<128x128xf32, #tpu.memory_space<vmem>>, vector<1x16xf32>,
        }
        %scan3A_33 = arith.constant 128 : i32
        "tpu.region"() ({
          %run_scoped3A_35 = tpu.sem_alloc : memref<!tpu.dma_semaphore, #tpu.memory_space<semaphore_mem>>
          %dma_start3A = arith.constant 0 : i32
          %dma_start3A_36 = arith.constant 0 : i32
          %dma_start3A_37 = tpu.memref_slice %arg11[%add3A_23, %dma_start3A, %dma_start3A_36] : memref<2500x128x16xf32, #tpu.memory_space<hbm>> -> memref<1x128x16xf32, #tpu.memory_space<hbm>>
          %dma_start3A_38 = tpu.memref_squeeze %dma_start3A_37 : memref<1x128x16xf32, #tpu.memory_space<hbm>> -> memref<128x16xf32, #tpu.memory_space<hbm>>
          %dma_start3A_39 = arith.constant 0 : i32
          %dma_start3A_40 = arith.constant 0 : i32
          %dma_start3A_41 = tpu.memref_slice %arg11[%add3A_23, %dma_start3A_39, %dma_start3A_40] : memref<2500x128x16xf32, #tpu.memory_space<hbm>> -> memref<1x128x16xf32, #tpu.memory_space<hbm>>
          %dma_start3A_42 = tpu.memref_squeeze %dma_start3A_41 : memref<1x128x16xf32, #tpu.memory_space<hbm>> -> memref<128x16xf32, #tpu.memory_space<hbm>>
          tpu.enqueue_dma source(%arg18 : memref<128x16xf32, #tpu.memory_space<vmem>>) target(%dma_start3A_42 : memref<128x16xf32, #tpu.memory_space<hbm>>) target_semaphore(%run_scoped3A_35 : memref<!tpu.dma_semaphore, #tpu.memory_space<semaphore_mem>>)
          %dma_wait3A = arith.constant 0 : i32
          %dma_wait3A_43 = arith.constant 0 : i32
          %dma_wait3A_44 = tpu.memref_slice %arg11[%add3A_23, %dma_wait3A, %dma_wait3A_43] : memref<2500x128x16xf32, #tpu.memory_space<hbm>> -> memref<1x128x16xf32, #tpu.memory_space<hbm>>
          %dma_wait3A_45 = tpu.memref_squeeze %dma_wait3A_44 : memref<1x128x16xf32, #tpu.memory_space<hbm>> -> memref<128x16xf32, #tpu.memory_space<hbm>>
          %dma_wait3A_46 = arith.constant 0 : i32
          %dma_wait3A_47 = arith.constant 0 : i32
          %dma_wait3A_48 = tpu.memref_slice %arg11[%add3A_23, %dma_wait3A_46, %dma_wait3A_47] : memref<2500x128x16xf32, #tpu.memory_space<hbm>> -> memref<1x128x16xf32, #tpu.memory_space<hbm>>
          %dma_wait3A_49 = tpu.memref_squeeze %dma_wait3A_48 : memref<1x128x16xf32, #tpu.memory_space<hbm>> -> memref<128x16xf32, #tpu.memory_space<hbm>>
          tpu.wait_dma2 semaphore(%run_scoped3A_35 : memref<!tpu.dma_semaphore, #tpu.memory_space<semaphore_mem>>) src(%arg18 : memref<128x16xf32, #tpu.memory_space<vmem>>) dst(%dma_wait3A_49 : memref<128x16xf32, #tpu.memory_space<hbm>>)
          tpu.yield
        }) : () -> ()
        %run_scoped3A_34 = arith.constant 0 : i32
        "tpu.region"() ({
          %run_scoped3A_35 = tpu.sem_alloc : memref<!tpu.dma_semaphore, #tpu.memory_space<semaphore_mem>>
          %dma_start3A = arith.constant 0 : i32
          %dma_start3A_36 = tpu.memref_slice %arg14[%run_scoped3A_34, %dma_start3A] : memref<1x128xi32, #tpu.memory_space<vmem>> -> memref<1x128xi32, #tpu.memory_space<vmem>>
          %dma_start3A_37 = tpu.memref_squeeze %dma_start3A_36 : memref<1x128xi32, #tpu.memory_space<vmem>> -> memref<128xi32, #tpu.memory_space<vmem>>
          %dma_start3A_38 = arith.constant 0 : i32
          %dma_start3A_39 = arith.constant 0 : i32
          %dma_start3A_40 = tpu.memref_slice %arg23[%dma_start3A_38, %dma_start3A_39] : memref<10112x128xf32, #tpu.memory_space<vmem_shared>> -> memref<10112x128xf32, #tpu.memory_space<vmem_shared>>
          tpu.enqueue_indirect_dma source(%arg19 : memref<128x128xf32, #tpu.memory_space<vmem>>) target(%dma_start3A_40 : memref<10112x128xf32, #tpu.memory_space<vmem_shared>>) offsets(%dma_start3A_37 : memref<128xi32, #tpu.memory_space<vmem>>) semaphore(%run_scoped3A_35 : memref<!tpu.dma_semaphore, #tpu.memory_space<semaphore_mem>>) {add = true}
          %dma_wait3A = arith.constant 0 : i32
          %dma_wait3A_41 = tpu.memref_slice %arg14[%run_scoped3A_34, %dma_wait3A] : memref<1x128xi32, #tpu.memory_space<vmem>> -> memref<1x128xi32, #tpu.memory_space<vmem>>
          %dma_wait3A_42 = tpu.memref_squeeze %dma_wait3A_41 : memref<1x128xi32, #tpu.memory_space<vmem>> -> memref<128xi32, #tpu.memory_space<vmem>>
          %dma_wait3A_43 = arith.constant 0 : i32
          %dma_wait3A_44 = arith.constant 0 : i32
          %dma_wait3A_45 = tpu.memref_slice %arg23[%dma_wait3A_43, %dma_wait3A_44] : memref<10112x128xf32, #tpu.memory_space<vmem_shared>> -> memref<10112x128xf32, #tpu.memory_space<vmem_shared>>
          tpu.wait_indirect_dma semaphore(%run_scoped3A_35 : memref<!tpu.dma_semaphore, #tpu.memory_space<semaphore_mem>>) src(%arg19 : memref<128x128xf32, #tpu.memory_space<vmem>>) dst(%dma_wait3A_45 : memref<10112x128xf32, #tpu.memory_space<vmem_shared>>)
          tpu.yield
        }) : () -> ()
      } else {
      }
    }
    %scan3A_14 = arith.constant 79 : i32
    %barrier3A_15 = arith.constant 0 : index
    tpu.barrier barrier_id(%barrier3A_15)
    %mul3A_16 = arith.constant 632 : i32
    %mul3A_17 = arith.muli %arg1, %mul3A_16 : i32
    %mul3A_18 = arith.constant 632 : i32
    %mul3A_19 = arith.muli %arg1, %mul3A_18 : i32
    "tpu.region"() ({
      %run_scoped3A = tpu.sem_alloc : memref<!tpu.dma_semaphore, #tpu.memory_space<semaphore_mem>>
      %dma_start3A = arith.constant 0 : i32
      %dma_start3A_20 = tpu.memref_slice %arg12[%arg0, %mul3A_19, %dma_start3A] : memref<2x10112x128xf32, #tpu.memory_space<hbm>> -> memref<1x632x128xf32, #tpu.memory_space<hbm>>
      %dma_start3A_21 = tpu.memref_squeeze %dma_start3A_20 : memref<1x632x128xf32, #tpu.memory_space<hbm>> -> memref<632x128xf32, #tpu.memory_space<hbm>>
      %dma_start3A_22 = arith.constant 0 : i32
      %dma_start3A_23 = tpu.memref_slice %arg23[%mul3A_17, %dma_start3A_22] : memref<10112x128xf32, #tpu.memory_space<vmem_shared>> -> memref<632x128xf32, #tpu.memory_space<vmem_shared>>
      tpu.enqueue_dma source(%dma_start3A_23 : memref<632x128xf32, #tpu.memory_space<vmem_shared>>) target(%dma_start3A_21 : memref<632x128xf32, #tpu.memory_space<hbm>>) target_semaphore(%run_scoped3A : memref<!tpu.dma_semaphore, #tpu.memory_space<semaphore_mem>>)
      %dma_wait3A = arith.constant 0 : i32
      %dma_wait3A_24 = tpu.memref_slice %arg12[%arg0, %mul3A_19, %dma_wait3A] : memref<2x10112x128xf32, #tpu.memory_space<hbm>> -> memref<1x632x128xf32, #tpu.memory_space<hbm>>
      %dma_wait3A_25 = tpu.memref_squeeze %dma_wait3A_24 : memref<1x632x128xf32, #tpu.memory_space<hbm>> -> memref<632x128xf32, #tpu.memory_space<hbm>>
      %dma_wait3A_26 = arith.constant 0 : i32
      %dma_wait3A_27 = tpu.memref_slice %arg23[%mul3A_17, %dma_wait3A_26] : memref<10112x128xf32, #tpu.memory_space<vmem_shared>> -> memref<632x128xf32, #tpu.memory_space<vmem_shared>>
      tpu.wait_dma2 semaphore(%run_scoped3A : memref<!tpu.dma_semaphore, #tpu.memory_space<semaphore_mem>>) src(%dma_wait3A_27 : memref<632x128xf32, #tpu.memory_space<vmem_shared>>) dst(%dma_wait3A_25 : memref<632x128xf32, #tpu.memory_space<hbm>>)
      tpu.yield
    }) : () -> ()
    return
  }
}

#map = affine_map<(d0, d1) -> (0, 0, 0)>
#map1 = affine_map<(d0, d1) -> (0)>
#map2 = affine_map<(d0, d1) -> (0, 0)>
module attributes {stable_mosaic.version = 14 : i64} {
  func.func @den_kernel(%arg0: i32, %arg1: i32, %arg2: memref<2500x128x16xf32, #tpu.memory_space<hbm>>, %arg3: memref<2500x1x128xi32, #tpu.memory_space<hbm>>, %arg4: memref<16xf32, #tpu.memory_space<hbm>>, %arg5: memref<10112x16xf32, #tpu.memory_space<hbm>>, %arg6: memref<2x10112x16xf32, #tpu.memory_space<hbm>>, %arg7: memref<128x16xf32, #tpu.memory_space<vmem>>, %arg8: memref<1x128xi32, #tpu.memory_space<vmem>>, %arg9: memref<16xf32, #tpu.memory_space<vmem>>, %arg10: memref<10112x16xf32, #tpu.memory_space<vmem_shared>>) attributes {dimension_semantics = [#tpu.dimension_semantics<core_parallel>, #tpu.dimension_semantics<subcore_parallel>], iteration_bounds = array<i64: 2, 16>, scalar_prefetch = 0 : i64, scratch_operands = 4 : i64, tpu.core_type = #tpu.core_type<sc_vector_subcore>, window_params = [{transform_indices = #map}, {transform_indices = #map}, {transform_indices = #map1}, {transform_indices = #map2}, {transform_indices = #map}]} {
    %mul3A = arith.constant 2 : i32
    %mul3A_0 = arith.muli %arg1, %mul3A : i32
    %add3A = arith.addi %mul3A_0, %arg0 : i32
    %mul3A_1 = arith.constant 632 : i32
    %mul3A_2 = arith.muli %arg1, %mul3A_1 : i32
    %mul3A_3 = arith.constant 632 : i32
    %mul3A_4 = arith.muli %arg1, %mul3A_3 : i32
    "tpu.region"() ({
      %run_scoped3A = tpu.sem_alloc : memref<!tpu.dma_semaphore, #tpu.memory_space<semaphore_mem>>
      %dma_start3A = arith.constant 0 : i32
      %dma_start3A_17 = tpu.memref_slice %arg10[%mul3A_4, %dma_start3A] : memref<10112x16xf32, #tpu.memory_space<vmem_shared>> -> memref<632x16xf32, #tpu.memory_space<vmem_shared>>
      %dma_start3A_18 = arith.constant 0 : i32
      %dma_start3A_19 = tpu.memref_slice %arg5[%mul3A_2, %dma_start3A_18] : memref<10112x16xf32, #tpu.memory_space<hbm>> -> memref<632x16xf32, #tpu.memory_space<hbm>>
      tpu.enqueue_dma source(%dma_start3A_19 : memref<632x16xf32, #tpu.memory_space<hbm>>) target(%dma_start3A_17 : memref<632x16xf32, #tpu.memory_space<vmem_shared>>) target_semaphore(%run_scoped3A : memref<!tpu.dma_semaphore, #tpu.memory_space<semaphore_mem>>)
      %dma_wait3A = arith.constant 0 : i32
      %dma_wait3A_20 = tpu.memref_slice %arg10[%mul3A_4, %dma_wait3A] : memref<10112x16xf32, #tpu.memory_space<vmem_shared>> -> memref<632x16xf32, #tpu.memory_space<vmem_shared>>
      %dma_wait3A_21 = arith.constant 0 : i32
      %dma_wait3A_22 = tpu.memref_slice %arg5[%mul3A_2, %dma_wait3A_21] : memref<10112x16xf32, #tpu.memory_space<hbm>> -> memref<632x16xf32, #tpu.memory_space<hbm>>
      tpu.wait_dma2 semaphore(%run_scoped3A : memref<!tpu.dma_semaphore, #tpu.memory_space<semaphore_mem>>) src(%dma_wait3A_22 : memref<632x16xf32, #tpu.memory_space<hbm>>) dst(%dma_wait3A_20 : memref<632x16xf32, #tpu.memory_space<vmem_shared>>)
      tpu.yield
    }) : () -> ()
    "tpu.region"() ({
      %run_scoped3A = tpu.sem_alloc : memref<!tpu.dma_semaphore, #tpu.memory_space<semaphore_mem>>
      tpu.enqueue_dma source(%arg4 : memref<16xf32, #tpu.memory_space<hbm>>) target(%arg9 : memref<16xf32, #tpu.memory_space<vmem>>) target_semaphore(%run_scoped3A : memref<!tpu.dma_semaphore, #tpu.memory_space<semaphore_mem>>)
      tpu.wait_dma2 semaphore(%run_scoped3A : memref<!tpu.dma_semaphore, #tpu.memory_space<semaphore_mem>>) src(%arg4 : memref<16xf32, #tpu.memory_space<hbm>>) dst(%arg9 : memref<16xf32, #tpu.memory_space<vmem>>)
      tpu.yield
    }) : () -> ()
    %barrier3A = arith.constant 0 : index
    tpu.barrier barrier_id(%barrier3A)
    %get3A = arith.constant 0 : index
    %get3A_5 = tpu.vector_load %arg9[%get3A] {strides = array<i32>} : memref<16xf32, #tpu.memory_space<vmem>>, vector<16xf32>,
    %get3A_6 = vector.shape_cast %get3A_5 : vector<16xf32> to vector<16xf32>
    %scan3A = arith.constant 0 : i32
    %scan3A_7 = arith.constant 0 : i32
    %scan3A_8 = arith.constant 79 : i32
    %scan3A_9 = arith.addi %scan3A_7, %scan3A_8 : i32
    %scan3A_10 = arith.constant 1 : i32
    scf.for %scan3A_17 = %scan3A_7 to %scan3A_9 step %scan3A_10  : i32 {
      %mul3A_18 = arith.constant 32 : i32
      %mul3A_19 = arith.muli %mul3A_18, %scan3A_17 : i32
      %add3A_20 = arith.addi %add3A, %mul3A_19 : i32
      %lt3A = arith.constant 2500 : i32
      %lt3A_21 = arith.cmpi slt, %add3A_20, %lt3A : i32
      %convert_element_type3A = arith.extui %lt3A_21 : i1 to i32
      %cond3A = arith.constant 0 : i32
      %cond3A_22 = arith.cmpi ne, %convert_element_type3A, %cond3A : i32
      scf.if %cond3A_22 {
        "tpu.region"() ({
          %run_scoped3A_29 = tpu.sem_alloc : memref<!tpu.dma_semaphore, #tpu.memory_space<semaphore_mem>>
          %dma_start3A = arith.constant 0 : i32
          %dma_start3A_30 = arith.constant 0 : i32
          %dma_start3A_31 = tpu.memref_slice %arg3[%add3A_20, %dma_start3A, %dma_start3A_30] : memref<2500x1x128xi32, #tpu.memory_space<hbm>> -> memref<1x1x128xi32, #tpu.memory_space<hbm>>
          %dma_start3A_32 = tpu.memref_squeeze %dma_start3A_31 : memref<1x1x128xi32, #tpu.memory_space<hbm>> -> memref<1x128xi32, #tpu.memory_space<hbm>>
          %dma_start3A_33 = arith.constant 0 : i32
          %dma_start3A_34 = arith.constant 0 : i32
          %dma_start3A_35 = tpu.memref_slice %arg3[%add3A_20, %dma_start3A_33, %dma_start3A_34] : memref<2500x1x128xi32, #tpu.memory_space<hbm>> -> memref<1x1x128xi32, #tpu.memory_space<hbm>>
          %dma_start3A_36 = tpu.memref_squeeze %dma_start3A_35 : memref<1x1x128xi32, #tpu.memory_space<hbm>> -> memref<1x128xi32, #tpu.memory_space<hbm>>
          tpu.enqueue_dma source(%dma_start3A_36 : memref<1x128xi32, #tpu.memory_space<hbm>>) target(%arg8 : memref<1x128xi32, #tpu.memory_space<vmem>>) target_semaphore(%run_scoped3A_29 : memref<!tpu.dma_semaphore, #tpu.memory_space<semaphore_mem>>)
          %dma_wait3A = arith.constant 0 : i32
          %dma_wait3A_37 = arith.constant 0 : i32
          %dma_wait3A_38 = tpu.memref_slice %arg3[%add3A_20, %dma_wait3A, %dma_wait3A_37] : memref<2500x1x128xi32, #tpu.memory_space<hbm>> -> memref<1x1x128xi32, #tpu.memory_space<hbm>>
          %dma_wait3A_39 = tpu.memref_squeeze %dma_wait3A_38 : memref<1x1x128xi32, #tpu.memory_space<hbm>> -> memref<1x128xi32, #tpu.memory_space<hbm>>
          %dma_wait3A_40 = arith.constant 0 : i32
          %dma_wait3A_41 = arith.constant 0 : i32
          %dma_wait3A_42 = tpu.memref_slice %arg3[%add3A_20, %dma_wait3A_40, %dma_wait3A_41] : memref<2500x1x128xi32, #tpu.memory_space<hbm>> -> memref<1x1x128xi32, #tpu.memory_space<hbm>>
          %dma_wait3A_43 = tpu.memref_squeeze %dma_wait3A_42 : memref<1x1x128xi32, #tpu.memory_space<hbm>> -> memref<1x128xi32, #tpu.memory_space<hbm>>
          tpu.wait_dma2 semaphore(%run_scoped3A_29 : memref<!tpu.dma_semaphore, #tpu.memory_space<semaphore_mem>>) src(%dma_wait3A_43 : memref<1x128xi32, #tpu.memory_space<hbm>>) dst(%arg8 : memref<1x128xi32, #tpu.memory_space<vmem>>)
          tpu.yield
        }) : () -> ()
        "tpu.region"() ({
          %run_scoped3A_29 = tpu.sem_alloc : memref<!tpu.dma_semaphore, #tpu.memory_space<semaphore_mem>>
          %dma_start3A = arith.constant 0 : i32
          %dma_start3A_30 = arith.constant 0 : i32
          %dma_start3A_31 = tpu.memref_slice %arg2[%add3A_20, %dma_start3A, %dma_start3A_30] : memref<2500x128x16xf32, #tpu.memory_space<hbm>> -> memref<1x128x16xf32, #tpu.memory_space<hbm>>
          %dma_start3A_32 = tpu.memref_squeeze %dma_start3A_31 : memref<1x128x16xf32, #tpu.memory_space<hbm>> -> memref<128x16xf32, #tpu.memory_space<hbm>>
          %dma_start3A_33 = arith.constant 0 : i32
          %dma_start3A_34 = arith.constant 0 : i32
          %dma_start3A_35 = tpu.memref_slice %arg2[%add3A_20, %dma_start3A_33, %dma_start3A_34] : memref<2500x128x16xf32, #tpu.memory_space<hbm>> -> memref<1x128x16xf32, #tpu.memory_space<hbm>>
          %dma_start3A_36 = tpu.memref_squeeze %dma_start3A_35 : memref<1x128x16xf32, #tpu.memory_space<hbm>> -> memref<128x16xf32, #tpu.memory_space<hbm>>
          tpu.enqueue_dma source(%dma_start3A_36 : memref<128x16xf32, #tpu.memory_space<hbm>>) target(%arg7 : memref<128x16xf32, #tpu.memory_space<vmem>>) target_semaphore(%run_scoped3A_29 : memref<!tpu.dma_semaphore, #tpu.memory_space<semaphore_mem>>)
          %dma_wait3A = arith.constant 0 : i32
          %dma_wait3A_37 = arith.constant 0 : i32
          %dma_wait3A_38 = tpu.memref_slice %arg2[%add3A_20, %dma_wait3A, %dma_wait3A_37] : memref<2500x128x16xf32, #tpu.memory_space<hbm>> -> memref<1x128x16xf32, #tpu.memory_space<hbm>>
          %dma_wait3A_39 = tpu.memref_squeeze %dma_wait3A_38 : memref<1x128x16xf32, #tpu.memory_space<hbm>> -> memref<128x16xf32, #tpu.memory_space<hbm>>
          %dma_wait3A_40 = arith.constant 0 : i32
          %dma_wait3A_41 = arith.constant 0 : i32
          %dma_wait3A_42 = tpu.memref_slice %arg2[%add3A_20, %dma_wait3A_40, %dma_wait3A_41] : memref<2500x128x16xf32, #tpu.memory_space<hbm>> -> memref<1x128x16xf32, #tpu.memory_space<hbm>>
          %dma_wait3A_43 = tpu.memref_squeeze %dma_wait3A_42 : memref<1x128x16xf32, #tpu.memory_space<hbm>> -> memref<128x16xf32, #tpu.memory_space<hbm>>
          tpu.wait_dma2 semaphore(%run_scoped3A_29 : memref<!tpu.dma_semaphore, #tpu.memory_space<semaphore_mem>>) src(%dma_wait3A_43 : memref<128x16xf32, #tpu.memory_space<hbm>>) dst(%arg7 : memref<128x16xf32, #tpu.memory_space<vmem>>)
          tpu.yield
        }) : () -> ()
        %scan3A_23 = arith.constant 0 : i32
        %scan3A_24 = arith.constant 0 : i32
        %scan3A_25 = arith.constant 128 : i32
        %scan3A_26 = arith.addi %scan3A_24, %scan3A_25 : i32
        %scan3A_27 = arith.constant 1 : i32
        scf.for %scan3A_29 = %scan3A_24 to %scan3A_26 step %scan3A_27  : i32 {
          %get3A_30 = arith.index_cast %scan3A_29 : i32 to index
          %get3A_31 = arith.constant 0 : index
          %get3A_32 = tpu.vector_load %arg7[%get3A_30, %get3A_31] {strides = array<i32>} : memref<128x16xf32, #tpu.memory_space<vmem>>, vector<1x16xf32>,
          %get3A_33 = vector.shape_cast %get3A_32 : vector<1x16xf32> to vector<16xf32>
          %sub3A = arith.subf %get3A_33, %get3A_6 : vector<16xf32>
          %exp3A = math.exp %sub3A : vector<16xf32>
          %swap3A = arith.index_cast %scan3A_29 : i32 to index
          %swap3A_34 = arith.constant 0 : index
          %swap3A_35 = tpu.vector_load %arg7[%swap3A, %swap3A_34] {strides = array<i32>} : memref<128x16xf32, #tpu.memory_space<vmem>>, vector<1x16xf32>,
          %swap3A_36 = vector.shape_cast %swap3A_35 : vector<1x16xf32> to vector<16xf32>
          %swap3A_37 = vector.shape_cast %exp3A : vector<16xf32> to vector<1x16xf32>
          tpu.vector_store %arg7[%swap3A, %swap3A_34], %swap3A_37 {strides = array<i32>} : memref<128x16xf32, #tpu.memory_space<vmem>>, vector<1x16xf32>,
        }
        %scan3A_28 = arith.constant 128 : i32
        %run_scoped3A = arith.constant 0 : i32
        "tpu.region"() ({
          %run_scoped3A_29 = tpu.sem_alloc : memref<!tpu.dma_semaphore, #tpu.memory_space<semaphore_mem>>
          %dma_start3A = arith.constant 0 : i32
          %dma_start3A_30 = tpu.memref_slice %arg8[%run_scoped3A, %dma_start3A] : memref<1x128xi32, #tpu.memory_space<vmem>> -> memref<1x128xi32, #tpu.memory_space<vmem>>
          %dma_start3A_31 = tpu.memref_squeeze %dma_start3A_30 : memref<1x128xi32, #tpu.memory_space<vmem>> -> memref<128xi32, #tpu.memory_space<vmem>>
          %dma_start3A_32 = arith.constant 0 : i32
          %dma_start3A_33 = arith.constant 0 : i32
          %dma_start3A_34 = tpu.memref_slice %arg10[%dma_start3A_32, %dma_start3A_33] : memref<10112x16xf32, #tpu.memory_space<vmem_shared>> -> memref<10112x16xf32, #tpu.memory_space<vmem_shared>>
          tpu.enqueue_indirect_dma source(%arg7 : memref<128x16xf32, #tpu.memory_space<vmem>>) target(%dma_start3A_34 : memref<10112x16xf32, #tpu.memory_space<vmem_shared>>) offsets(%dma_start3A_31 : memref<128xi32, #tpu.memory_space<vmem>>) semaphore(%run_scoped3A_29 : memref<!tpu.dma_semaphore, #tpu.memory_space<semaphore_mem>>) {add = true}
          %dma_wait3A = arith.constant 0 : i32
          %dma_wait3A_35 = tpu.memref_slice %arg8[%run_scoped3A, %dma_wait3A] : memref<1x128xi32, #tpu.memory_space<vmem>> -> memref<1x128xi32, #tpu.memory_space<vmem>>
          %dma_wait3A_36 = tpu.memref_squeeze %dma_wait3A_35 : memref<1x128xi32, #tpu.memory_space<vmem>> -> memref<128xi32, #tpu.memory_space<vmem>>
          %dma_wait3A_37 = arith.constant 0 : i32
          %dma_wait3A_38 = arith.constant 0 : i32
          %dma_wait3A_39 = tpu.memref_slice %arg10[%dma_wait3A_37, %dma_wait3A_38] : memref<10112x16xf32, #tpu.memory_space<vmem_shared>> -> memref<10112x16xf32, #tpu.memory_space<vmem_shared>>
          tpu.wait_indirect_dma semaphore(%run_scoped3A_29 : memref<!tpu.dma_semaphore, #tpu.memory_space<semaphore_mem>>) src(%arg7 : memref<128x16xf32, #tpu.memory_space<vmem>>) dst(%dma_wait3A_39 : memref<10112x16xf32, #tpu.memory_space<vmem_shared>>)
          tpu.yield
        }) : () -> ()
      } else {
      }
    }
    %scan3A_11 = arith.constant 79 : i32
    %barrier3A_12 = arith.constant 0 : index
    tpu.barrier barrier_id(%barrier3A_12)
    %mul3A_13 = arith.constant 632 : i32
    %mul3A_14 = arith.muli %arg1, %mul3A_13 : i32
    %mul3A_15 = arith.constant 632 : i32
    %mul3A_16 = arith.muli %arg1, %mul3A_15 : i32
    "tpu.region"() ({
      %run_scoped3A = tpu.sem_alloc : memref<!tpu.dma_semaphore, #tpu.memory_space<semaphore_mem>>
      %dma_start3A = arith.constant 0 : i32
      %dma_start3A_17 = tpu.memref_slice %arg6[%arg0, %mul3A_16, %dma_start3A] : memref<2x10112x16xf32, #tpu.memory_space<hbm>> -> memref<1x632x16xf32, #tpu.memory_space<hbm>>
      %dma_start3A_18 = tpu.memref_squeeze %dma_start3A_17 : memref<1x632x16xf32, #tpu.memory_space<hbm>> -> memref<632x16xf32, #tpu.memory_space<hbm>>
      %dma_start3A_19 = arith.constant 0 : i32
      %dma_start3A_20 = tpu.memref_slice %arg10[%mul3A_14, %dma_start3A_19] : memref<10112x16xf32, #tpu.memory_space<vmem_shared>> -> memref<632x16xf32, #tpu.memory_space<vmem_shared>>
      tpu.enqueue_dma source(%dma_start3A_20 : memref<632x16xf32, #tpu.memory_space<vmem_shared>>) target(%dma_start3A_18 : memref<632x16xf32, #tpu.memory_space<hbm>>) target_semaphore(%run_scoped3A : memref<!tpu.dma_semaphore, #tpu.memory_space<semaphore_mem>>)
      %dma_wait3A = arith.constant 0 : i32
      %dma_wait3A_21 = tpu.memref_slice %arg6[%arg0, %mul3A_16, %dma_wait3A] : memref<2x10112x16xf32, #tpu.memory_space<hbm>> -> memref<1x632x16xf32, #tpu.memory_space<hbm>>
      %dma_wait3A_22 = tpu.memref_squeeze %dma_wait3A_21 : memref<1x632x16xf32, #tpu.memory_space<hbm>> -> memref<632x16xf32, #tpu.memory_space<hbm>>
      %dma_wait3A_23 = arith.constant 0 : i32
      %dma_wait3A_24 = tpu.memref_slice %arg10[%mul3A_14, %dma_wait3A_23] : memref<10112x16xf32, #tpu.memory_space<vmem_shared>> -> memref<632x16xf32, #tpu.memory_space<vmem_shared>>
      tpu.wait_dma2 semaphore(%run_scoped3A : memref<!tpu.dma_semaphore, #tpu.memory_space<semaphore_mem>>) src(%dma_wait3A_24 : memref<632x16xf32, #tpu.memory_space<vmem_shared>>) dst(%dma_wait3A_22 : memref<632x16xf32, #tpu.memory_space<hbm>>)
      tpu.yield
    }) : () -> ()
    return
  }
}

module attributes {stable_mosaic.version = 14 : i64} {
  func.func @_encoder_body(%arg0: i32, %arg1: memref<4000x16xf32, #tpu.memory_space<vmem>>, %arg2: memref<128x16xf32, #tpu.memory_space<vmem>>, %arg3: memref<1x128xf32, #tpu.memory_space<vmem>>, %arg4: memref<128x16xf32, #tpu.memory_space<vmem>>, %arg5: memref<1x16xf32, #tpu.memory_space<vmem>>, %arg6: memref<4000x16xf32, #tpu.memory_space<vmem>>) attributes {dimension_semantics = [#tpu.dimension_semantics<arbitrary>], iteration_bounds = array<i64: 80>, scalar_prefetch = 0 : i64, scratch_operands = 0 : i64, tpu.core_type = #tpu.core_type<tc>, window_params = [{transform_indices = @transform_0, window_bounds = array<i64: 4000, 16>}, {pipeline_mode = #tpu.pipeline_mode<synchronous>, transform_indices = @transform_1, window_bounds = array<i64: 128, 16>}, {pipeline_mode = #tpu.pipeline_mode<synchronous>, transform_indices = @transform_2, window_bounds = array<i64: 1, 128>}, {pipeline_mode = #tpu.pipeline_mode<synchronous>, transform_indices = @transform_3, window_bounds = array<i64: 128, 16>}, {pipeline_mode = #tpu.pipeline_mode<synchronous>, transform_indices = @transform_4, window_bounds = array<i64: 1, 16>}, {transform_indices = @transform_5, window_bounds = array<i64: 4000, 16>}]} {
    %get3A = arith.constant 0 : index
    %get3A_0 = arith.constant 0 : index
    %get3A_1 = vector.load %arg1[%get3A, %get3A_0] : memref<4000x16xf32, #tpu.memory_space<vmem>>, vector<4000x16xf32>
    %get3A_2 = arith.constant 0 : index
    %get3A_3 = arith.constant 0 : index
    %get3A_4 = vector.load %arg2[%get3A_2, %get3A_3] : memref<128x16xf32, #tpu.memory_space<vmem>>, vector<128x16xf32>
    %dot_general3A = arith.constant dense<0.000000e+00> : vector<4000x128xf32>
    %dot_general3A_5 = tpu.matmul %get3A_1, %get3A_4, %dot_general3A {dimension_numbers = #tpu.dot_dimension_numbers<[1], [1], [0], [0], [0, 0, 1, 0], [], []>, transpose_lhs_hint = false} : vector<4000x16xf32>, vector<128x16xf32>, vector<4000x128xf32> -> vector<4000x128xf32>
    %get3A_6 = arith.constant 0 : index
    %get3A_7 = arith.constant 0 : index
    %get3A_8 = vector.load %arg3[%get3A_6, %get3A_7] : memref<1x128xf32, #tpu.memory_space<vmem>>, vector<1x128xf32>
    %add3A = vector.broadcast %get3A_8 : vector<1x128xf32> to vector<4000x128xf32>
    %add3A_9 = arith.addf %dot_general3A_5, %add3A : vector<4000x128xf32>
    %mul3A = arith.constant 5.000000e-01 : f32
    %mul3A_10 = vector.broadcast %mul3A : f32 to vector<4000x128xf32>
    %mul3A_11 = arith.mulf %mul3A_10, %add3A_9 : vector<4000x128xf32>
    %mul3A_12 = arith.constant 0.707106769 : f32
    %mul3A_13 = vector.broadcast %mul3A_12 : f32 to vector<4000x128xf32>
    %mul3A_14 = arith.mulf %add3A_9, %mul3A_13 : vector<4000x128xf32>
    %erf3A = math.erf %mul3A_14 : vector<4000x128xf32>
    %add3A_15 = arith.constant 1.000000e+00 : f32
    %add3A_16 = vector.broadcast %add3A_15 : f32 to vector<4000x128xf32>
    %add3A_17 = arith.addf %add3A_16, %erf3A : vector<4000x128xf32>
    %mul3A_18 = arith.mulf %mul3A_11, %add3A_17 : vector<4000x128xf32>
    %get3A_19 = arith.constant 0 : index
    %get3A_20 = arith.constant 0 : index
    %get3A_21 = vector.load %arg4[%get3A_19, %get3A_20] : memref<128x16xf32, #tpu.memory_space<vmem>>, vector<128x16xf32>
    %dot_general3A_22 = arith.constant dense<0.000000e+00> : vector<4000x16xf32>
    %dot_general3A_23 = tpu.matmul %mul3A_18, %get3A_21, %dot_general3A_22 {dimension_numbers = #tpu.dot_dimension_numbers<[1], [0], [0], [1], [0, 0, 1, 1], [], []>, transpose_lhs_hint = false} : vector<4000x128xf32>, vector<128x16xf32>, vector<4000x16xf32> -> vector<4000x16xf32>
    %get3A_24 = arith.constant 0 : index
    %get3A_25 = arith.constant 0 : index
    %get3A_26 = vector.load %arg5[%get3A_24, %get3A_25] : memref<1x16xf32, #tpu.memory_space<vmem>>, vector<1x16xf32>
    %add3A_27 = vector.broadcast %get3A_26 : vector<1x16xf32> to vector<4000x16xf32>
    %add3A_28 = arith.addf %dot_general3A_23, %add3A_27 : vector<4000x16xf32>
    %swap3A = arith.constant 0 : index
    %swap3A_29 = arith.constant 0 : index
    %swap3A_30 = vector.load %arg6[%swap3A, %swap3A_29] : memref<4000x16xf32, #tpu.memory_space<vmem>>, vector<4000x16xf32>
    tpu.vector_store %arg6[%swap3A, %swap3A_29], %add3A_28 {strides = array<i32>} : memref<4000x16xf32, #tpu.memory_space<vmem>>, vector<4000x16xf32>,
    return
  }
  func.func @transform_0(%arg0: i32) -> (i32, i32) {
    %c0_i32 = arith.constant 0 : i32
    %c0_i32_0 = arith.constant 0 : i32
    return %arg0, %c0_i32 : i32, i32
  }
  func.func @transform_1(%arg0: i32) -> (i32, i32) {
    %c0_i32 = arith.constant 0 : i32
    %c0_i32_0 = arith.constant 0 : i32
    %c0_i32_1 = arith.constant 0 : i32
    return %c0_i32, %c0_i32_0 : i32, i32
  }
  func.func @transform_2(%arg0: i32) -> (i32, i32) {
    %c0_i32 = arith.constant 0 : i32
    %c0_i32_0 = arith.constant 0 : i32
    %c0_i32_1 = arith.constant 0 : i32
    return %c0_i32, %c0_i32_0 : i32, i32
  }
  func.func @transform_3(%arg0: i32) -> (i32, i32) {
    %c0_i32 = arith.constant 0 : i32
    %c0_i32_0 = arith.constant 0 : i32
    %c0_i32_1 = arith.constant 0 : i32
    return %c0_i32, %c0_i32_0 : i32, i32
  }
  func.func @transform_4(%arg0: i32) -> (i32, i32) {
    %c0_i32 = arith.constant 0 : i32
    %c0_i32_0 = arith.constant 0 : i32
    %c0_i32_1 = arith.constant 0 : i32
    return %c0_i32, %c0_i32_0 : i32, i32
  }
  func.func @transform_5(%arg0: i32) -> (i32, i32) {
    %c0_i32 = arith.constant 0 : i32
    %c0_i32_0 = arith.constant 0 : i32
    return %arg0, %c0_i32 : i32, i32
  }
}

module attributes {stable_mosaic.version = 14 : i64} {
  func.func @_vproj_body(%arg0: i32, %arg1: memref<2000x128xf32, #tpu.memory_space<vmem>>, %arg2: memref<128x128xf32, #tpu.memory_space<vmem>>, %arg3: memref<2000x128xf32, #tpu.memory_space<vmem>>) attributes {dimension_semantics = [#tpu.dimension_semantics<arbitrary>], iteration_bounds = array<i64: 5>, scalar_prefetch = 0 : i64, scratch_operands = 0 : i64, tpu.core_type = #tpu.core_type<tc>, window_params = [{transform_indices = @transform_0, window_bounds = array<i64: 2000, 128>}, {pipeline_mode = #tpu.pipeline_mode<synchronous>, transform_indices = @transform_1, window_bounds = array<i64: 128, 128>}, {transform_indices = @transform_2, window_bounds = array<i64: 2000, 128>}]} {
    %get3A = arith.constant 0 : index
    %get3A_0 = arith.constant 0 : index
    %get3A_1 = vector.load %arg1[%get3A, %get3A_0] : memref<2000x128xf32, #tpu.memory_space<vmem>>, vector<2000x128xf32>
    %get3A_2 = arith.constant 0 : index
    %get3A_3 = arith.constant 0 : index
    %get3A_4 = vector.load %arg2[%get3A_2, %get3A_3] : memref<128x128xf32, #tpu.memory_space<vmem>>, vector<128x128xf32>
    %dot_general3A = arith.constant dense<0.000000e+00> : vector<2000x128xf32>
    %dot_general3A_5 = tpu.matmul %get3A_1, %get3A_4, %dot_general3A {dimension_numbers = #tpu.dot_dimension_numbers<[1], [1], [0], [0], [0, 0, 1, 0], [], []>, transpose_lhs_hint = false} : vector<2000x128xf32>, vector<128x128xf32>, vector<2000x128xf32> -> vector<2000x128xf32>
    %swap3A = arith.constant 0 : index
    %swap3A_6 = arith.constant 0 : index
    %swap3A_7 = vector.load %arg3[%swap3A, %swap3A_6] : memref<2000x128xf32, #tpu.memory_space<vmem>>, vector<2000x128xf32>
    tpu.vector_store %arg3[%swap3A, %swap3A_6], %dot_general3A_5 {strides = array<i32>} : memref<2000x128xf32, #tpu.memory_space<vmem>>, vector<2000x128xf32>,
    return
  }
  func.func @transform_0(%arg0: i32) -> (i32, i32) {
    %c0_i32 = arith.constant 0 : i32
    %c0_i32_0 = arith.constant 0 : i32
    return %arg0, %c0_i32 : i32, i32
  }
  func.func @transform_1(%arg0: i32) -> (i32, i32) {
    %c0_i32 = arith.constant 0 : i32
    %c0_i32_0 = arith.constant 0 : i32
    %c0_i32_1 = arith.constant 0 : i32
    return %c0_i32, %c0_i32_0 : i32, i32
  }
  func.func @transform_2(%arg0: i32) -> (i32, i32) {
    %c0_i32 = arith.constant 0 : i32
    %c0_i32_0 = arith.constant 0 : i32
    return %arg0, %c0_i32 : i32, i32
  }
}

module attributes {stable_mosaic.version = 14 : i64} {
  func.func @_oproj_body(%arg0: i32, %arg1: memref<2x2000x128xf32, #tpu.memory_space<vmem>>, %arg2: memref<128x128xf32, #tpu.memory_space<vmem>>, %arg3: memref<2000x128xf32, #tpu.memory_space<vmem>>) attributes {dimension_semantics = [#tpu.dimension_semantics<arbitrary>], iteration_bounds = array<i64: 5>, scalar_prefetch = 0 : i64, scratch_operands = 0 : i64, tpu.core_type = #tpu.core_type<tc>, window_params = [{transform_indices = @transform_0, window_bounds = array<i64: 2, 2000, 128>}, {pipeline_mode = #tpu.pipeline_mode<synchronous>, transform_indices = @transform_1, window_bounds = array<i64: 128, 128>}, {transform_indices = @transform_2, window_bounds = array<i64: 2000, 128>}]} {
    %get3A = arith.constant 0 : index
    %get3A_0 = arith.constant 0 : index
    %get3A_1 = arith.constant 0 : index
    %get3A_2 = vector.load %arg1[%get3A, %get3A_0, %get3A_1] : memref<2x2000x128xf32, #tpu.memory_space<vmem>>, vector<1x2000x128xf32>
    %get3A_3 = vector.shape_cast %get3A_2 : vector<1x2000x128xf32> to vector<2000x128xf32>
    %get3A_4 = arith.constant 1 : index
    %get3A_5 = arith.constant 0 : index
    %get3A_6 = arith.constant 0 : index
    %get3A_7 = vector.load %arg1[%get3A_4, %get3A_5, %get3A_6] : memref<2x2000x128xf32, #tpu.memory_space<vmem>>, vector<1x2000x128xf32>
    %get3A_8 = vector.shape_cast %get3A_7 : vector<1x2000x128xf32> to vector<2000x128xf32>
    %add3A = arith.addf %get3A_3, %get3A_8 : vector<2000x128xf32>
    %get3A_9 = arith.constant 0 : index
    %get3A_10 = arith.constant 0 : index
    %get3A_11 = vector.load %arg2[%get3A_9, %get3A_10] : memref<128x128xf32, #tpu.memory_space<vmem>>, vector<128x128xf32>
    %dot_general3A = arith.constant dense<0.000000e+00> : vector<2000x128xf32>
    %dot_general3A_12 = tpu.matmul %add3A, %get3A_11, %dot_general3A {dimension_numbers = #tpu.dot_dimension_numbers<[1], [1], [0], [0], [0, 0, 1, 0], [], []>, transpose_lhs_hint = false} : vector<2000x128xf32>, vector<128x128xf32>, vector<2000x128xf32> -> vector<2000x128xf32>
    %swap3A = arith.constant 0 : index
    %swap3A_13 = arith.constant 0 : index
    %swap3A_14 = vector.load %arg3[%swap3A, %swap3A_13] : memref<2000x128xf32, #tpu.memory_space<vmem>>, vector<2000x128xf32>
    tpu.vector_store %arg3[%swap3A, %swap3A_13], %dot_general3A_12 {strides = array<i32>} : memref<2000x128xf32, #tpu.memory_space<vmem>>, vector<2000x128xf32>,
    return
  }
  func.func @transform_0(%arg0: i32) -> (i32, i32, i32) {
    %c0_i32 = arith.constant 0 : i32
    %c0_i32_0 = arith.constant 0 : i32
    %c0_i32_1 = arith.constant 0 : i32
    return %c0_i32, %arg0, %c0_i32_0 : i32, i32, i32
  }
  func.func @transform_1(%arg0: i32) -> (i32, i32) {
    %c0_i32 = arith.constant 0 : i32
    %c0_i32_0 = arith.constant 0 : i32
    %c0_i32_1 = arith.constant 0 : i32
    return %c0_i32, %c0_i32_0 : i32, i32
  }
  func.func @transform_2(%arg0: i32) -> (i32, i32) {
    %c0_i32 = arith.constant 0 : i32
    %c0_i32_0 = arith.constant 0 : i32
    return %arg0, %c0_i32 : i32, i32
  }
}

</mosaic_0001>

<sc_bundles>
// kernel: kernel.10.cloned.1.call-start
scs
__scs_entry_jumppad:
0x0: {  	(pc) =	sbr.rel $0x88, $3  }
0x1: {  	(tag) =	ssettag $0x0;
	lr =	simm.s32 $0x1  }
0x2: {  	[smem:$0x3F96] =	sst lr;
	_ =	strace $0xD0000000  }
0x3: {  	_ = 	snop  }
0x4: {  	_ = 	snop  }
0x5: {  	_ = 	snop  }
0x6: {  	_ = 	snop  }
0x7: {  	_ = 	snop  }
__scs_overlays_trampoline_lowered:
0x8: {  	[smem:$0x3FA5] =	sst s0  }
0x9: {  	[smem:$0x3FA6] =	sst s1  }
0xa: {  	[smem:$0x3FA7] =	sst s2  }
0xb: {  	[smem:$0x3FA8] =	sst s3  }
0xc: {  	[smem:$0x3FA9] =	sst s4  }
0xd: {  	[smem:$0x3FAA] =	sst s5  }
0xe: {  	[smem:$0x3FAB] =	sst s6  }
0xf: {  	[smem:$0x3FAC] =	sst s7  }
0x10: {  	[smem:$0x3FAD] =	sst s8  }
0x11: {  	[smem:$0x3FAE] =	sst s9;
	s0 =	simm.s32 @!p0 $0x0  }
0x12: {  	s1 =	sld [smem:$0x3F94];
	s0 =	simm.s32 @p0 $0x1  }
0x13: {  	[smem:$0x3FAF] =	sst s0;
	s0 =	simm.s32 @!p1 $0x0  }
0x14: {  	s2 =	sld [smem:$0x3F93];
	s0 =	simm.s32 @p1 $0x1  }
0x15: {  	[smem:$0x3FB0] =	sst s0;
	s0 =	simm.s32 @!p2 $0x0  }
0x16: {  	s3 =	sld [smem:$0x3FDB];
	s0 =	simm.s32 @p2 $0x1  }
0x17: {  	s4 =	simm.s32 $0x1BF5;
	[smem:$0x3FB2] =	sst s0  }
0x18: {  	s0 =	sld [smem:$0x3F95];
	_ =	swait.ge [sflag:s4], $0x0  }
0x19: {  	s7 =	sld [smem:$0x3F96]  }
0x1a: {  	s8 =	sadd.s32 $0xFFFFE003, lr  }
0x1b: {  	s9 =	sadd.s32 $0xFFFFFEF7, lr;
	s5 =	simm.s32 $0xFFFFFFFF;
	p2 =	slt.u32 s8, $0xFFFFF086  }
0x1c: {  	p1 =	slt.u32 s9, $0xF7A;
	s5 =	simm.s32 @!p2 $0x0  }
0x1d: {  	s5 =	simm.s32 @p1 $0x1;
	p0 =	seq.s32 s7, s2  }
0x1e: {  	s7 =	smul.u32 @!p0 $0xF7A, s2;
	p2 =	seq.s32 @!p0 s5, $0x0  }
0x1f: {  	s9 =	smul.u32 $0xF7A, s1;
	s8 =	simm.s32 @!p0 $0x1BF5;
	p2 =	por !p2, p0  }
0x20: {  	[sflag:s8] =	ssyncset.s32 @!p0 $0xFFFFF086;
	s6 =	sadd.s32 @!p0 s3, s7;
	s7 =	simm.s32 @!p0 $0x108  }
0x21: {  	s3 =	sadd.s32 s3, s9;
	s6 =	sadd.s32 @!p0 $0x88, s6;
	s7 =	simm.s32 @p2 $0x1082  }
0x22: {  	[simem:s7], [sflag:s8] =	dma.local @!p0 [hbm:s6], $0xF7A  }
0x23: {  	s9 =	sor.u32 $0xD0000000, s2;
	s6 =	simm.s32 $0x108;
	_ =	swait.ge @!p0 [sflag:s8], $0x0  }
0x24: {  	s3 =	sadd.s32 $0x88, s3;
	s6 =	simm.s32 @!p1 $0x1082;
	[sflag:s4] =	ssyncset.s32 $0xFFFFF086  }
0x25: {  	[simem:s6], [sflag:s4] =	dma.local [hbm:s3], $0xF7A  }
0x26: {  	[smem:$0x3F96] =	sst s1;
	(tag) =	ssettag s2;
	_ =	strace s9  }
0x27: {  	s1 =	sld [smem:$0x3FA6]  }
0x28: {  	s2 =	sld [smem:$0x3FA7]  }
0x29: {  	s4 =	sld [smem:$0x3FA9]  }
0x2a: {  	p0 =	seq.s32 s5, $0x0;
	s5 =	sld [smem:$0x3FAA]  }
0x2b: {  	s6 =	sld [smem:$0x3FAB]  }
0x2c: {  	s7 =	sld [smem:$0x3FAC]  }
0x2d: {  	s3 =	simm.s32 $0x108;
	s8 =	sld [smem:$0x3FAD]  }
0x2e: {  	s3 =	simm.s32 @!p0 $0x1082;
	s9 =	sld [smem:$0x3FAE]  }
0x2f: {  	lr =	sadd.s32 s0, s3;
	s0 =	sld [smem:$0x3FA5]  }
0x30: {  	s3 =	sld [smem:$0x3FA8]  }
0x31: {  	[smem:$0x3FB1] =	sst s10  }
0x32: {  	s10 =	sld [smem:$0x3FAF];
	_ =	sdelay $0x3  }
0x33: {  	p0 =	seq.s32 s10, $0x1;
	s10 =	sld [smem:$0x3FB1];
	_ =	sdelay $0x3  }
0x34: {  	[smem:$0x3FB1] =	sst s10  }
0x35: {  	s10 =	sld [smem:$0x3FB0];
	_ =	sdelay $0x3  }
0x36: {  	p1 =	seq.s32 s10, $0x1;
	s10 =	sld [smem:$0x3FB1];
	_ =	sdelay $0x3  }
0x37: {  	[smem:$0x3FB1] =	sst s10  }
0x38: {  	s10 =	sld [smem:$0x3FB2]  }
0x39: {  	_ = 	snop;
	(pc) =	sbr.ind lr, $3  }
0x3a: {  	_ = 	snop  }
0x3b: {  	_ = 	snop  }
0x3c: {  	p2 =	seq.s32 s10, $0x1;
	s10 =	sld [smem:$0x3FB1]  }
0x3d: {  	_ =	shalt  }
0x3e: {  	_ =	shalt  }
0x3f: {  	_ =	shalt  }
0x40: {  	_ =	shalt  }
0x41: {  	_ =	shalt  }
0x42: {  	_ =	shalt  }
0x43: {  	_ =	shalt  }
0x44: {  	_ =	shalt  }
0x45: {  	_ =	shalt  }
0x46: {  	_ =	shalt  }
0x47: {  	_ =	shalt  }
0x48: {  	_ =	shalt  }
0x49: {  	_ =	shalt  }
0x4a: {  	_ =	shalt  }
0x4b: {  	_ =	shalt  }
0x4c: {  	_ =	shalt  }
0x4d: {  	_ =	shalt  }
0x4e: {  	_ =	shalt  }
0x4f: {  	_ =	shalt  }
0x50: {  	_ =	shalt  }
0x51: {  	_ =	shalt  }
0x52: {  	_ =	shalt  }
0x53: {  	_ =	shalt  }
0x54: {  	_ =	shalt  }
0x55: {  	_ =	shalt  }
0x56: {  	_ =	shalt  }
0x57: {  	_ =	shalt  }
0x58: {  	_ =	shalt  }
0x59: {  	_ =	shalt  }
0x5a: {  	_ =	shalt  }
0x5b: {  	_ =	shalt  }
0x5c: {  	_ =	shalt  }
0x5d: {  	_ =	shalt  }
0x5e: {  	_ =	shalt  }
0x5f: {  	_ =	shalt  }
0x60: {  	_ =	shalt  }
0x61: {  	_ =	shalt  }
0x62: {  	_ =	shalt  }
0x63: {  	_ =	shalt  }
0x64: {  	_ =	shalt  }
0x65: {  	_ =	shalt  }
0x66: {  	_ =	shalt  }
0x67: {  	_ =	shalt  }
0x68: {  	_ =	shalt  }
0x69: {  	_ =	shalt  }
0x6a: {  	_ =	shalt  }
0x6b: {  	_ =	shalt  }
0x6c: {  	_ =	shalt  }
0x6d: {  	_ =	shalt  }
0x6e: {  	_ =	shalt  }
0x6f: {  	_ =	shalt  }
0x70: {  	_ =	shalt  }
0x71: {  	_ =	shalt  }
0x72: {  	_ =	shalt  }
0x73: {  	_ =	shalt  }
0x74: {  	_ =	shalt  }
0x75: {  	_ =	shalt  }
0x76: {  	_ =	shalt  }
0x77: {  	_ =	shalt  }
0x78: {  	_ =	shalt  }
0x79: {  	_ =	shalt  }
0x7a: {  	_ =	shalt  }
0x7b: {  	_ =	shalt  }
0x7c: {  	_ =	shalt  }
0x7d: {  	_ =	shalt  }
0x7e: {  	_ =	shalt  }
0x7f: {  	_ =	shalt  }
0x80: {  	_ =	shalt  }
0x81: {  	_ =	shalt  }
0x82: {  	_ =	shalt  }
0x83: {  	_ =	shalt  }
0x84: {  	_ =	shalt  }
0x85: {  	_ =	shalt  }
0x86: {  	_ =	shalt  }
0x87: {  	_ =	shalt  }
.Lfunc_end0:
.L_simem_size_0:
called_computation.1_lowered:
.L_overlay_start_0:
0x88: {  	s2 =	sld [smem:$0x3FD9]  }
0x89: {  	s3 =	sld [smem:$0x3FFE];
	_ =	sdelay $0x1  }
0x8a: {  	s1 =	srdreg.scid  }
0x8b: {  	s0 =	sand.u32 $0x1, s1  }
0x8c: {  	s14 =	sshll.u32 s0, $0xA;
	s2 =	sadd.s32 s3, s2  }
0x8d: {  	s2 =	sadd.s32 s2, s14  }
0x8e: {  	[smem:$0x3FBD] =	sst s2  }
0x8f: {  	_ = 	snop  }
0x90: {  	s2 =	sld [smem:$0x3FD0];
	_ =	sdelay $0x2  }
0x91: {  	s15 =	simm.s32 $0xA;
	s4 =	simm.s32 $0x10  }
0x92: {  	[smem:s4], [sflag:s15] =	dma.local [hbm:s2], $0x1  }
0x93: {  	_ =	swait.eq [sflag:s15], $0x1  }
0x94: {  	[sflag:s15] =	ssyncset.done $0x0  }
0x95: {  	s16 =	sld [smem:$0x10];
	[sflag:s15] =	ssyncadd.s32 $0xFFFFFFFF  }
0x96: {  	s17 =	sld [smem:$0x11];
	(tm) =	ssettm $0x1  }
0x97: {  	s18 =	sld [smem:$0x3FFB];
	_ =	sdelay $0x3  }
0x98: {  	_ =	strace s18  }
0x99: {  	s4 =	sld [smem:$0x3FFC];
	_ =	sdelay $0x3  }
0x9a: {  	_ =	strace s4  }
0x9b: {  	s4 =	sld [smem:$0x3FFD];
	_ =	sdelay $0x3  }
0x9c: {  	_ =	strace s4  }
0x9d: {  	_ =	strace $0x8FFFFFFF  }
0x9e: {  	s19 =	sld [smem:$0x3FDB];
	_ =	sdelay $0x1  }
0x9f: {  	s5 =	simm.s32 $_scs_section_size  }
0xa0: {  	s6 =	simm.s32 $_size__tile_overlayer_lowered;
	s7 =	simm.s32 $_tile_overlayer_lowered  }
0xa1: {  	s22 =	simm.s32 $0x1BFF;
	s21 =	sshll.u32 s7, $0x1;
	s4 =	sadd.s32 s5, s19  }
0xa2: {  	s8 =	simm.s32 $0x0;
	s20 =	sshll.u32 s6, $0x1;
	s6 =	sadd.s32 s21, s4  }
0xa3: {  	[timem:s8], [sflag:s22] =	dma.local [hbm:s6], s20  }
0xa4: {  	_ =	swait.ge [sflag:s22], s20  }
0xa5: {  	s5 =	ssub.s32 $0x0, s20;
	[sflag:s22] =	ssyncset.done $0x0  }
0xa6: {  	[sflag:s22] =	ssyncadd.s32 s5;
	_ =	sdelay $0x1  }
0xa7: {  	s23 =	simm.s32 $0x1B8B  }
0xa8: {  	_ =	swait.ge [sflag:s23], $0x1  }
0xa9: {  	[sflag:s23] =	ssyncset.done $0x0  }
0xaa: {  	s25 =	simm.s32 $0x1B8E;
	s24 =	sld [smem:$0x3FFE];
	[sflag:s23] =	ssyncadd.s32 $0xFFFFFFFF  }
0xab: {  	s26 =	simm.s32 $execute0_lowered;
	[smem:$0x3FD2] =	sst s25  }
0xac: {  	s6 =	sshll.u32 s26, $0x1;
	_ =	strace $0x80000049;
	[dreg:$0x1] =	wrdreg $0xFFFFFFFF  }
0xad: {  	s28 =	simm.s32 $_size_execute0_lowered;
	s4 =	sadd.s32 s4, s6;
	[dreg:$0x0] =	wrdreg $0x0  }
0xae: {  	s6 =	sshll.u32 s28, $0x1;
	[dreg:$0x2] =	wrdreg s4  }
0xaf: {  	[dreg:$0x3] =	wrdreg s6  }
0xb0: {  	[dreg:$0x4] =	wrdreg $0xC0  }
0xb1: {  	_ =	task [dreg:s8], $0x5FFFF  }
0xb2: {  	[dreg:$0x1] =	wrdreg $0xFFFFFFFF  }
0xb3: {  	[dreg:$0x0] =	wrdreg $0x60  }
0xb4: {  	[dreg:$0x2] =	wrdreg s24  }
0xb5: {  	[dreg:$0x3] =	wrdreg s16  }
0xb6: {  	[dreg:$0x4] =	wrdreg s17  }
0xb7: {  	[dreg:$0x5] =	wrdreg $0x61380  }
0xb8: {  	[dreg:$0x6] =	wrdreg $0x9  }
0xb9: {  	_ =	task.clear_ibuf [dreg:s8], $0x7FFFF;
	_ =	strace $0x90000049  }
0xba: {  	s29 =	simm.s32 $0x9;
	_ =	strace $0x8000004B  }
0xbb: {  	_ =	swait.ge [sflag:s29], $0x1  }
0xbc: {  	[sflag:s29] =	ssyncadd.s32 $0xFFFFFFFF  }
0xbd: {  	_ =	strace $0x9000004B  }
0xbe: {  	_ =	sfence  }
0xbf: {  	s30 =	sld [smem:$0x0];
	_ =	sdelay $0x2  }
0xc0: {  	s31 =	sshll.u32 s1, $0xD;
	s1 =	sshrl.u32 s1, $0x2  }
0xc1: {  	s3 =	sand.u32 $0x4000, s31;
	s1 =	sadd.s32 s1, s30  }
0xc2: {  	s0 =	sor.u32 s3, s0;
	s1 =	sshll.u32 s1, $0x11  }
0xc3: {  	s0 =	sor.u32 s1, s0  }
0xc4: {  	s0 =	sadd.s32 $0x8F2B, s0  }
0xc5: {  	[sflag:s0] =	ssyncadd.remote.s32 $0x1  }
0xc6: {  	_ =	sfence.sel $0xFFFF  }
0xc7: {  	[dreg:$0x0] =	wrdreg $0xFFFFFFFF;
	(pc) =	sbr.abs _section_cstart, $3  }
0xc8: {  	[dreg:$0x1] =	wrdreg $0xFFFFFFFF  }
0xc9: {  	_ =	task.clear_ibuf [dreg:s8], $0x2FFFF;
	_ =	strace $0x9FFFFFFF  }
0xca: {  	(tm) =	ssettm $0x7FFFFFFF  }
0xcb: {  	_ =	shalt  }
tec
execute0_lowered:
.L_overlay_start_1:
0x0: {  	(tag) =	ssettag $0x1  }
0x1: {  	s0 =	rddreg [dreg:$0x0]  }
0x2: {  	s1 =	rddreg [dreg:$0x1]  }
0x3: {  	s3 =	rddreg [dreg:$0x2]  }
0x4: {  	s2 =	rddreg [dreg:$0x3]  }
0x5: {  	s4 =	simm.s32 $0x0;
	s5 =	srdreg.scid;
	s16 =	stileid.u32  }
0x6: {  	s20 =	simm.s32 $0x1;
	s23 =	simm.s32 $0x800;
	s28 =	simm.s32 $0x900  }
0x7: {  	s29 =	simm.s32 $0x1100;
	s30 =	simm.s32 $0x2100;
	s31 =	simm.s32 $0x1900  }
0x8: {  	[smem:$0x7FF] =	sst s4;
	s5 =	sand.u32 $0x1, s5;
	s11 =	smul.u32 $0x13C00, s16  }
0x9: {  	s6 =	sadd.s32 $0x1800, s0;
	s7 =	sadd.s32 $0xA7A00, s0;
	s8 =	sadd.s32 $0x9DC00, s0  }
0xa: {  	s9 =	sadd.s32 $0xB6C00, s0;
	s10 =	sadd.s32 $0xB1A00, s0;
	s13 =	sadd.s32 $0xB1800, s0  }
0xb: {  	s24 =	sadd.s32 $0xB6A00, s0;
	_ =	strace $0x8000004A;
	[dreg:$0x5] =	wrdreg s13  }
0xc: {  	s12 =	smul.u32 $0x13C000, s5;
	s14 =	ssub.s32 $0x2, s5;
	[dreg:$0x6] =	wrdreg s24  }
0xd: {  	s13 =	sadd.s32 $0xBBC00, s0;
	s24 =	simm.s32 $0x2;
	s15 =	sshrl.u32 s14, $0x1  }
0xe: {  	s26 =	sshrl.u32 s11, $0x3;
	s12 =	sadd.s32 s11, s12;
	s25 =	ssub.s32 s14, s15  }
.Ltmp0:
0xf: {  	s14 =	sshll.u32 s16, $0x1;
	s16 =	sshll.u32 s16, $0x6;
	(pc) =	sbr.rel .LBB2_1-.Ltmp0, $4  }
0x10: {  	s11 =	sadd.s32 s11, s2;
	s3 =	sadd.s32 s3, s26;
	s26 =	simm.s32 $0x80  }
0x11: {  	s12 =	sshrl.u32 s12, $0x3;
	[dreg:$0x7] =	wrdreg s3;
	s16 =	sor.u32 $0x1C01, s16  }
0x12: {  	s18 =	smax.u32 s25, $0x1;
	s19 =	sshrl.u32 s11, $0x3;
	s0 =	sadd.s32 s12, s0  }
0x13: {  	s25 =	simm.s32 $0x880;
	s17 =	sadd.s32 $0x158000, s0;
	s0 =	simm.s32 $0x0  }
.LBB2_7:
0x14: {  	s0 =	sadd.s32 $0x1, s0  }
0x15: {  	p0 =	sne.s32 s0, s18  }
.Ltmp1:
0x16: {  	[bflag:$0x0] =	sbarrier.arrive $0xFFFF;
	(pc) =	sbr.rel @!p0 .LBB2_8-.Ltmp1, $4  }
0x17: {  	[hbm:s17], [sflag:s16] =	dma.local [spmem:s19], $0x2780  }
0x18: {  	_ =	swait.ge [sflag:s20], $0x2780  }
0x19: {  	[sflag:s20] =	ssyncset.done $0x0  }
0x1a: {  	[sflag:s20] =	ssyncadd.s32 $0xFFFFD880  }
.LBB2_1:
0x1b: {  	s3 =	rddreg [dreg:$0x7]  }
0x1c: {  	[spmem:s19], [sflag:s16] =	dma.local [hbm:s3], $0x2780  }
0x1d: {  	_ =	swait.ge [sflag:s20], $0x2780  }
0x1e: {  	[sflag:s20] =	ssyncset.done $0x0  }
0x1f: {  	s11 =	simm.s32 $0x6118;
	s15 =	rddreg [dreg:$0x5];
	[sflag:s20] =	ssyncadd.s32 $0xFFFFD880  }
0x20: {  	[tilespmem:s11], [sflag:$0x1] =	stream.linear.gather [hbm4b:s15+s4], $0x10, $0x38;
	[tilespmem:$0x19D38] =	vst v63  }
0x21: {  	_ =	swait.ge [sflag:s20], $0x10  }
0x22: {  	[sflag:s20] =	ssyncset.done $0x0  }
0x23: {  	s22 =	simm.s32 $0x6128;
	s21 =	rddreg [dreg:$0x6];
	[sflag:s20] =	ssyncadd.s32 $0xFFFFFFF0  }
0x24: {  	[tilespmem:s22], [sflag:$0x1] =	stream.linear.gather [hbm4b:s21+s4], $0x10, $0x38;
	[tilespmem:$0x19D38] =	vst v63  }
0x25: {  	_ =	swait.ge [sflag:s20], $0x10  }
.Ltmp2:
0x26: {  	[sflag:s20] =	ssyncset.done $0x0;
	(pc) =	sbr.rel .LBB2_2-.Ltmp2, $4  }
0x27: {  	[sflag:s20] =	ssyncadd.s32 $0xFFFFFFF0  }
0x28: {  	[bflag:$0x0] =	sbarrier.arrive $0xFFFF  }
0x29: {  	v0 =	vld [tilespmem:$0x6118]  }
0x2a: {  	s3 =	simm.s32 $0x0;
	v1 =	vld [tilespmem:$0x6128]  }
.LBB2_6:
0x2b: {  	s3 =	sadd.s32 $0x1, s3  }
0x2c: {  	p0 =	sne.s32 s3, $0x4F  }
.Ltmp3:
0x2d: {  	_ = 	snop;
	(pc) =	sbr.rel @!p0 .LBB2_7-.Ltmp3, $1  }
0x2e: {  	_ =	sdelay $0x3  }
.LBB2_2:
0x2f: {  	s11 =	sshll.u32 s3, $0x5  }
0x30: {  	s11 =	sor.u32 s14, s11  }
0x31: {  	p0 =	sgt.u32 s11, $0x9C3  }
.Ltmp4:
0x32: {  	_ = 	snop;
	(pc) =	sbr.rel @p0 .LBB2_6-.Ltmp4, $1  }
0x33: {  	_ =	sdelay $0x3  }
0x34: {  	s11 =	sor.u32 s5, s11  }
0x35: {  	s12 =	sshll.u32 s11, $0x4  }
0x36: {  	s22 =	simm.s32 $0x0;
	s21 =	sadd.s32 s7, s12  }
0x37: {  	[tilespmem:s23], [sflag:$0x2] =	stream.linear.gather [hbm4b:s21+s22], $0x80, $0x38;
	[tilespmem:$0x19D38] =	vst v63  }
0x38: {  	_ =	swait.ge [sflag:s24], $0x80  }
0x39: {  	[sflag:s24] =	ssyncset.done $0x0  }
0x3a: {  	s12 =	sadd.s32 s8, s12;
	[sflag:s24] =	ssyncadd.s32 $0xFFFFFF80  }
0x3b: {  	[tilespmem:s25], [sflag:$0x2] =	stream.linear.gather [hbm4b:s12+s22], $0x80, $0x38;
	[tilespmem:$0x19D38] =	vst v63  }
0x3c: {  	_ =	swait.ge [sflag:s24], $0x80  }
0x3d: {  	s21 =	sshll.u32 s11, $0x8;
	[sflag:s24] =	ssyncset.done $0x0  }
0x3e: {  	s11 =	sadd.s32 s6, s21;
	[sflag:s24] =	ssyncadd.s32 $0xFFFFFF80  }
0x3f: {  	[tilespmem:s22], [sflag:$0x2] =	stream.linear.gather [hbm4b:s11+s22], $0x800, $0x38;
	[tilespmem:$0x19D38] =	vst v63  }
0x40: {  	_ =	swait.ge [sflag:s24], $0x800  }
0x41: {  	[sflag:s24] =	ssyncset.done $0x0  }
0x42: {  	[sflag:s24] =	ssyncadd.s32 $0xFFFFF800  }
0x43: {  	[tilespmem:s28], [sflag:$0x2] =	stream.indirect.gather [hbm4b:s9+s26], $0x10, s23, s26, $0xb8;
	[tilespmem:$0x19D38] =	vst v63  }
0x44: {  	_ =	swait.ge [sflag:s24], $0x800  }
0x45: {  	[sflag:s24] =	ssyncset.done $0x0  }
0x46: {  	[sflag:s24] =	ssyncadd.s32 $0xFFFFF800  }
0x47: {  	[tilespmem:s29], [sflag:$0x2] =	stream.indirect.gather [hbm4b:s10+s26], $0x10, s23, s26, $0xb8;
	[tilespmem:$0x19D38] =	vst v63  }
0x48: {  	_ =	swait.ge [sflag:s24], $0x800  }
0x49: {  	[sflag:s24] =	ssyncset.done $0x0  }
0x4a: {  	[sflag:s24] =	ssyncadd.s32 $0xFFFFF800  }
0x4b: {  	[tilespmem:s30], [sflag:$0x2] =	stream.indirect.gather [hbm4b:s1+s26], $0x80, s25, s26, $0xb8;
	[tilespmem:$0x19D38] =	vst v63  }
0x4c: {  	_ =	swait.ge [sflag:s24], $0x4000  }
0x4d: {  	[sflag:s24] =	ssyncset.done $0x0  }
0x4e: {  	s15 =	simm.s32 $0x0;
	[sflag:s24] =	ssyncadd.s32 $0xFFFFC000  }
0x4f: {  	v2 =	vld [tilespmem:s15+$0x900]  }
0x50: {  	v3 =	vld [tilespmem:s15+$0x1100]  }
0x51: {  	v4 =	vld [tilespmem:s15+$0x0];
	_ =	sdelay $0x3  }
0x52: {  	v2 =	vadd.f32 v3, v2  }
0x53: {  	v3 =	vsub.f32 v4, v0  }
0x54: {  	v2 =	vadd.f32 $1.000000020e-16, v2  }
0x55: {  	v3 =	vmul.f32 $1.442695020e+00, v3  }
0x56: {  	v2 =	vmul.f32 v2, v1  }
0x57: {  	(erf) = vpow2.f32 v3  }
0x58: {  	(erf) = vrcp.f32 v2;
	_ =	sdelay $0x7  }
0x59: {  	v2 =	vpop (erf)  }
0x5a: {  	v3 =	vpop (erf)  }
0x5b: {  	v2 =	vmul.f32 v3, v2;
	_ =	sdelay $0x1  }
0x5c: {  	[tilespmem:$0x6100] =	vst v2  }
0x5d: {  	v3 =	vld [tilespmem:$0x6108];
	_ =	sdelay $0x4  }
0x5e: {  	v2 =	vsub.f32 v2, v3;
	_ =	sdelay $0x1  }
0x5f: {  	s22 =	simm.s32 $0x2140;
	[tilespmem:s15+$0x1900] =	vst v2  }
0x60: {  	v6 =	vld [tilespmem:s22+$0xFFFFFFF0]  }
0x61: {  	v5 =	vld [tilespmem:s22+$0x30]  }
0x62: {  	v4 =	vld [tilespmem:s22+$0xFFFFFFD0]  }
0x63: {  	s12 =	simm.s32 $0x2140;
	s11 =	simm.s32 $0x40;
	v8 =	vbroadcast v2, $0x3;
	v7 =	vbroadcast v2, $0x7;
	v3 =	vld [tilespmem:s22+$0xFFFFFFE0]  }
.LBB2_4:
0x64: {  	p0 =	sne.s32 s11, $0x1FC0  }
0x65: {  	v9 =	vld [tilespmem:s22+$0xFFFFFFC0];
	s12 =	sadd.s32 $0x80, s12;
	s15 =	smov.u32 s11;
	s11 =	sadd.s32 $0x40, s11  }
0x66: {  	v10 =	vbroadcast v2, $0x1;
	v6 =	vmul.f32 v6, v8;
	v8 =	vld [tilespmem:s22+$0x0]  }
0x67: {  	v11 =	vbroadcast v2, $0x2;
	v12 =	vld [tilespmem:s22+$0x10];
	v5 =	vmul.f32 v5, v7  }
0x68: {  	v7 =	vbroadcast v2, $0x0;
	v4 =	vmul.f32 v10, v4;
	[tilespmem:s22+$0xFFFFFFF0] =	vst v6;
	v6 =	vld [tilespmem:s22+$0x20]  }
0x69: {  	v10 =	vbroadcast v2, $0x4;
	v3 =	vmul.f32 v3, v11;
	[tilespmem:s22+$0x30] =	vst v5  }
0x6a: {  	v5 =	vmul.f32 v7, v9;
	[tilespmem:s22+$0xFFFFFFD0] =	vst v4;
	v4 =	vbroadcast v2, $0x5  }
0x6b: {  	v2 =	vbroadcast v2, $0x6;
	[tilespmem:s22+$0xFFFFFFE0] =	vst v3;
	v3 =	vmul.f32 v8, v10  }
0x6c: {  	[tilespmem:s22+$0xFFFFFFC0] =	vst v5;
	v4 =	vmul.f32 v12, v4  }
0x6d: {  	s15 =	sshra.s32 s15, $0x2;
	[tilespmem:s22+$0x0] =	vst v3;
	v2 =	vmul.f32 v6, v2  }
0x6e: {  	[tilespmem:s22+$0x10] =	vst v4  }
0x6f: {  	[tilespmem:s22+$0x20] =	vst v2;
	s22 =	smov.u32 s12  }
0x70: {  	v2 =	vld [tilespmem:s15+$0x900]  }
0x71: {  	v3 =	vld [tilespmem:s15+$0x1100]  }
0x72: {  	v4 =	vld [tilespmem:s15+$0x0];
	_ =	sdelay $0x3  }
0x73: {  	v2 =	vadd.f32 v3, v2  }
0x74: {  	v3 =	vsub.f32 v4, v0  }
0x75: {  	v2 =	vadd.f32 $1.000000020e-16, v2  }
0x76: {  	v3 =	vmul.f32 $1.442695020e+00, v3  }
0x77: {  	v2 =	vmul.f32 v2, v1  }
0x78: {  	(erf) = vpow2.f32 v3  }
0x79: {  	(erf) = vrcp.f32 v2;
	_ =	sdelay $0x7  }
0x7a: {  	v2 =	vpop (erf)  }
0x7b: {  	v3 =	vpop (erf)  }
0x7c: {  	v2 =	vmul.f32 v3, v2;
	_ =	sdelay $0x1  }
0x7d: {  	[tilespmem:$0x6100] =	vst v2  }
0x7e: {  	v3 =	vld [tilespmem:$0x6108];
	_ =	sdelay $0x4  }
0x7f: {  	v2 =	vsub.f32 v2, v3;
	_ =	sdelay $0x1  }
.Ltmp5:
0x80: {  	[tilespmem:s15+$0x1900] =	vst v2;
	(pc) =	sbr.rel @p0 .LBB2_4-.Ltmp5, $4  }
0x81: {  	v6 =	vld [tilespmem:s12+$0xFFFFFFF0]  }
0x82: {  	v5 =	vld [tilespmem:s12+$0x30]  }
0x83: {  	v4 =	vld [tilespmem:s12+$0xFFFFFFD0]  }
0x84: {  	v8 =	vbroadcast v2, $0x3;
	v7 =	vbroadcast v2, $0x7;
	v3 =	vld [tilespmem:s12+$0xFFFFFFE0]  }
0x85: {  	v9 =	vld [tilespmem:s22+$0xFFFFFFC0];
	v10 =	vbroadcast v2, $0x1  }
0x86: {  	v11 =	vld [tilespmem:s22+$0x10];
	v12 =	vbroadcast v2, $0x2;
	v6 =	vmul.f32 v6, v8  }
0x87: {  	v59 =	vbroadcast v2, $0x0;
	v60 =	vld [tilespmem:s22+$0x20];
	v5 =	vmul.f32 v5, v7  }
0x88: {  	v58 =	vld [tilespmem:s22+$0x0];
	v61 =	vbroadcast v2, $0x4;
	[tilespmem:s22+$0xFFFFFFF0] =	vst v6;
	v4 =	vmul.f32 v10, v4  }
0x89: {  	v63 =	vbroadcast v2, $0x5;
	v3 =	vmul.f32 v3, v12;
	[tilespmem:s22+$0x30] =	vst v5  }
0x8a: {  	v2 =	vbroadcast v2, $0x6;
	v62 =	vmul.f32 v59, v9;
	[tilespmem:s22+$0xFFFFFFD0] =	vst v4  }
0x8b: {  	v4 =	vmul.f32 v11, v63;
	[tilespmem:s22+$0xFFFFFFE0] =	vst v3  }
0x8c: {  	v2 =	vmul.f32 v60, v2;
	[tilespmem:s22+$0xFFFFFFC0] =	vst v62  }
0x8d: {  	v3 =	vmul.f32 v58, v61;
	[tilespmem:s22+$0x10] =	vst v4  }
0x8e: {  	[tilespmem:s22+$0x20] =	vst v2  }
0x8f: {  	s11 =	sadd.s32 s13, s21;
	[tilespmem:s22+$0x0] =	vst v3  }
0x90: {  	[hbm4b:s11+s4] =	stream.linear.scatter [tilespmem:s31], [sflag:$0x2], $0x800, $0x38;
	[tilespmem:$0x19D38] =	vst v63  }
0x91: {  	_ =	swait.ge [sflag:s24], $0x800  }
0x92: {  	[sflag:s24] =	ssyncset.done $0x0  }
.Ltmp6:
0x93: {  	[sflag:s24] =	ssyncadd.s32 $0xFFFFF800;
	(pc) =	sbr.rel .LBB2_6-.Ltmp6, $4  }
0x94: {  	[spmem:s2] =	stream.indirect.scatter.add.f32 [tilespmem:s30], [sflag:$0x1], $0x80, s23, s26, $0xb8;
	[tilespmem:$0x19D38] =	vst v63  }
0x95: {  	_ =	swait.ge [sflag:s20], $0x4000  }
0x96: {  	[sflag:s20] =	ssyncset.done $0x0  }
0x97: {  	[sflag:s20] =	ssyncadd.s32 $0xFFFFC000  }
.LBB2_8:
0x98: {  	_ =	sfence.sel $0x180000  }
0x99: {  	[bflag:$0x0] =	sbarrier.arrive $0xFFFF  }
0x9a: {  	_ =	strace $0x9000004A  }
0x9b: {  	s0 =	stileid.u32;
	[bflag:$0x2] =	sbarrier.arrive $0xFFFF  }
0x9c: {  	p0 =	sne.s32 s0, $0x0;
	s0 =	rddreg [dreg:$0x4]  }
0x9d: {  	s0 =	sadd.s32 @!p0 $0x100000, s0  }
0x9e: {  	[sflag:s0] =	ssyncadd.tile.s32 @!p0 $0x1;
	_ =	shalt  }
.Lfunc_end2:
_tile_overlayer_lowered:
.L_overlay_start_2:
0x9f: {  	(tag) =	ssettag $0x2  }
0xa0: {  	s0 =	rddreg [dreg:$0x0];
	s2 =	stileid.u32  }
0xa1: {  	s1 =	rddreg [dreg:$0x1];
	p0 =	sne.s32 s2, $0x0  }
0xa2: {  	s3 =	rddreg [dreg:$0x2];
	[bflag:$0x3] =	sbarrier.arrive $0xFFFF;
	s2 =	simm.s32 @!p0 $0x1C01  }
0xa3: {  	[timem:s3], [sflag:s2] =	dma.local @!p0 [hbm:s0], s1  }
0xa4: {  	s0 =	simm.s32 @!p0 $0x1  }
0xa5: {  	_ =	swait.ge @!p0 [sflag:s0], s1  }
0xa6: {  	s1 =	ssub.s32 @!p0 $0x0, s1;
	[sflag:s0] =	ssyncset.done @!p0 $0x0  }
0xa7: {  	[sflag:s0] =	ssyncadd.s32 @!p0 s1  }
0xa8: {  	[bflag:$0x3] =	sbarrier.arrive $0xFFFF  }
0xa9: {  	_ =	shalt  }

// kernel: kernel.7.cloned.1.call-start
scs
__scs_entry_jumppad:
0x0: {  	(pc) =	sbr.rel $0x88, $3  }
0x1: {  	(tag) =	ssettag $0x0;
	lr =	simm.s32 $0x1  }
0x2: {  	[smem:$0x3F96] =	sst lr;
	_ =	strace $0xD0000000  }
0x3: {  	_ = 	snop  }
0x4: {  	_ = 	snop  }
0x5: {  	_ = 	snop  }
0x6: {  	_ = 	snop  }
0x7: {  	_ = 	snop  }
__scs_overlays_trampoline_lowered:
0x8: {  	[smem:$0x3FA5] =	sst s0  }
0x9: {  	[smem:$0x3FA6] =	sst s1  }
0xa: {  	[smem:$0x3FA7] =	sst s2  }
0xb: {  	[smem:$0x3FA8] =	sst s3  }
0xc: {  	[smem:$0x3FA9] =	sst s4  }
0xd: {  	[smem:$0x3FAA] =	sst s5  }
0xe: {  	[smem:$0x3FAB] =	sst s6  }
0xf: {  	[smem:$0x3FAC] =	sst s7  }
0x10: {  	[smem:$0x3FAD] =	sst s8  }
0x11: {  	[smem:$0x3FAE] =	sst s9;
	s0 =	simm.s32 @!p0 $0x0  }
0x12: {  	s1 =	sld [smem:$0x3F94];
	s0 =	simm.s32 @p0 $0x1  }
0x13: {  	[smem:$0x3FAF] =	sst s0;
	s0 =	simm.s32 @!p1 $0x0  }
0x14: {  	s2 =	sld [smem:$0x3F93];
	s0 =	simm.s32 @p1 $0x1  }
0x15: {  	[smem:$0x3FB0] =	sst s0;
	s0 =	simm.s32 @!p2 $0x0  }
0x16: {  	s3 =	sld [smem:$0x3FDB];
	s0 =	simm.s32 @p2 $0x1  }
0x17: {  	s4 =	simm.s32 $0x1BF5;
	[smem:$0x3FB2] =	sst s0  }
0x18: {  	s0 =	sld [smem:$0x3F95];
	_ =	swait.ge [sflag:s4], $0x0  }
0x19: {  	s7 =	sld [smem:$0x3F96]  }
0x1a: {  	s8 =	sadd.s32 $0xFFFFE003, lr  }
0x1b: {  	s9 =	sadd.s32 $0xFFFFFEF7, lr;
	s5 =	simm.s32 $0xFFFFFFFF;
	p2 =	slt.u32 s8, $0xFFFFF086  }
0x1c: {  	p1 =	slt.u32 s9, $0xF7A;
	s5 =	simm.s32 @!p2 $0x0  }
0x1d: {  	s5 =	simm.s32 @p1 $0x1;
	p0 =	seq.s32 s7, s2  }
0x1e: {  	s7 =	smul.u32 @!p0 $0xF7A, s2;
	p2 =	seq.s32 @!p0 s5, $0x0  }
0x1f: {  	s9 =	smul.u32 $0xF7A, s1;
	s8 =	simm.s32 @!p0 $0x1BF5;
	p2 =	por !p2, p0  }
0x20: {  	[sflag:s8] =	ssyncset.s32 @!p0 $0xFFFFF086;
	s6 =	sadd.s32 @!p0 s3, s7;
	s7 =	simm.s32 @!p0 $0x108  }
0x21: {  	s3 =	sadd.s32 s3, s9;
	s6 =	sadd.s32 @!p0 $0x88, s6;
	s7 =	simm.s32 @p2 $0x1082  }
0x22: {  	[simem:s7], [sflag:s8] =	dma.local @!p0 [hbm:s6], $0xF7A  }
0x23: {  	s9 =	sor.u32 $0xD0000000, s2;
	s6 =	simm.s32 $0x108;
	_ =	swait.ge @!p0 [sflag:s8], $0x0  }
0x24: {  	s3 =	sadd.s32 $0x88, s3;
	s6 =	simm.s32 @!p1 $0x1082;
	[sflag:s4] =	ssyncset.s32 $0xFFFFF086  }
0x25: {  	[simem:s6], [sflag:s4] =	dma.local [hbm:s3], $0xF7A  }
0x26: {  	[smem:$0x3F96] =	sst s1;
	(tag) =	ssettag s2;
	_ =	strace s9  }
0x27: {  	s1 =	sld [smem:$0x3FA6]  }
0x28: {  	s2 =	sld [smem:$0x3FA7]  }
0x29: {  	s4 =	sld [smem:$0x3FA9]  }
0x2a: {  	p0 =	seq.s32 s5, $0x0;
	s5 =	sld [smem:$0x3FAA]  }
0x2b: {  	s6 =	sld [smem:$0x3FAB]  }
0x2c: {  	s7 =	sld [smem:$0x3FAC]  }
0x2d: {  	s3 =	simm.s32 $0x108;
	s8 =	sld [smem:$0x3FAD]  }
0x2e: {  	s3 =	simm.s32 @!p0 $0x1082;
	s9 =	sld [smem:$0x3FAE]  }
0x2f: {  	lr =	sadd.s32 s0, s3;
	s0 =	sld [smem:$0x3FA5]  }
0x30: {  	s3 =	sld [smem:$0x3FA8]  }
0x31: {  	[smem:$0x3FB1] =	sst s10  }
0x32: {  	s10 =	sld [smem:$0x3FAF];
	_ =	sdelay $0x3  }
0x33: {  	p0 =	seq.s32 s10, $0x1;
	s10 =	sld [smem:$0x3FB1];
	_ =	sdelay $0x3  }
0x34: {  	[smem:$0x3FB1] =	sst s10  }
0x35: {  	s10 =	sld [smem:$0x3FB0];
	_ =	sdelay $0x3  }
0x36: {  	p1 =	seq.s32 s10, $0x1;
	s10 =	sld [smem:$0x3FB1];
	_ =	sdelay $0x3  }
0x37: {  	[smem:$0x3FB1] =	sst s10  }
0x38: {  	s10 =	sld [smem:$0x3FB2]  }
0x39: {  	_ = 	snop;
	(pc) =	sbr.ind lr, $3  }
0x3a: {  	_ = 	snop  }
0x3b: {  	_ = 	snop  }
0x3c: {  	p2 =	seq.s32 s10, $0x1;
	s10 =	sld [smem:$0x3FB1]  }
0x3d: {  	_ =	shalt  }
0x3e: {  	_ =	shalt  }
0x3f: {  	_ =	shalt  }
0x40: {  	_ =	shalt  }
0x41: {  	_ =	shalt  }
0x42: {  	_ =	shalt  }
0x43: {  	_ =	shalt  }
0x44: {  	_ =	shalt  }
0x45: {  	_ =	shalt  }
0x46: {  	_ =	shalt  }
0x47: {  	_ =	shalt  }
0x48: {  	_ =	shalt  }
0x49: {  	_ =	shalt  }
0x4a: {  	_ =	shalt  }
0x4b: {  	_ =	shalt  }
0x4c: {  	_ =	shalt  }
0x4d: {  	_ =	shalt  }
0x4e: {  	_ =	shalt  }
0x4f: {  	_ =	shalt  }
0x50: {  	_ =	shalt  }
0x51: {  	_ =	shalt  }
0x52: {  	_ =	shalt  }
0x53: {  	_ =	shalt  }
0x54: {  	_ =	shalt  }
0x55: {  	_ =	shalt  }
0x56: {  	_ =	shalt  }
0x57: {  	_ =	shalt  }
0x58: {  	_ =	shalt  }
0x59: {  	_ =	shalt  }
0x5a: {  	_ =	shalt  }
0x5b: {  	_ =	shalt  }
0x5c: {  	_ =	shalt  }
0x5d: {  	_ =	shalt  }
0x5e: {  	_ =	shalt  }
0x5f: {  	_ =	shalt  }
0x60: {  	_ =	shalt  }
0x61: {  	_ =	shalt  }
0x62: {  	_ =	shalt  }
0x63: {  	_ =	shalt  }
0x64: {  	_ =	shalt  }
0x65: {  	_ =	shalt  }
0x66: {  	_ =	shalt  }
0x67: {  	_ =	shalt  }
0x68: {  	_ =	shalt  }
0x69: {  	_ =	shalt  }
0x6a: {  	_ =	shalt  }
0x6b: {  	_ =	shalt  }
0x6c: {  	_ =	shalt  }
0x6d: {  	_ =	shalt  }
0x6e: {  	_ =	shalt  }
0x6f: {  	_ =	shalt  }
0x70: {  	_ =	shalt  }
0x71: {  	_ =	shalt  }
0x72: {  	_ =	shalt  }
0x73: {  	_ =	shalt  }
0x74: {  	_ =	shalt  }
0x75: {  	_ =	shalt  }
0x76: {  	_ =	shalt  }
0x77: {  	_ =	shalt  }
0x78: {  	_ =	shalt  }
0x79: {  	_ =	shalt  }
0x7a: {  	_ =	shalt  }
0x7b: {  	_ =	shalt  }
0x7c: {  	_ =	shalt  }
0x7d: {  	_ =	shalt  }
0x7e: {  	_ =	shalt  }
0x7f: {  	_ =	shalt  }
0x80: {  	_ =	shalt  }
0x81: {  	_ =	shalt  }
0x82: {  	_ =	shalt  }
0x83: {  	_ =	shalt  }
0x84: {  	_ =	shalt  }
0x85: {  	_ =	shalt  }
0x86: {  	_ =	shalt  }
0x87: {  	_ =	shalt  }
.Lfunc_end0:
.L_simem_size_0:
called_computation_lowered:
.L_overlay_start_0:
0x88: {  	s2 =	sld [smem:$0x3FD9]  }
0x89: {  	s3 =	sld [smem:$0x3FFE];
	_ =	sdelay $0x1  }
0x8a: {  	s1 =	srdreg.scid  }
0x8b: {  	s0 =	sand.u32 $0x1, s1  }
0x8c: {  	s14 =	sshll.u32 s0, $0xA;
	s2 =	sadd.s32 s3, s2  }
0x8d: {  	s2 =	sadd.s32 s2, s14  }
0x8e: {  	[smem:$0x3FBD] =	sst s2  }
0x8f: {  	_ = 	snop  }
0x90: {  	s2 =	sld [smem:$0x3FD0];
	_ =	sdelay $0x2  }
0x91: {  	s15 =	simm.s32 $0xA;
	s4 =	simm.s32 $0x10  }
0x92: {  	[smem:s4], [sflag:s15] =	dma.local [hbm:s2], $0x1  }
0x93: {  	_ =	swait.eq [sflag:s15], $0x1  }
0x94: {  	[sflag:s15] =	ssyncset.done $0x0  }
0x95: {  	[sflag:s15] =	ssyncadd.s32 $0xFFFFFFFF  }
0x96: {  	s16 =	sld [smem:$0x11];
	(tm) =	ssettm $0x1  }
0x97: {  	s17 =	sld [smem:$0x3FFB];
	_ =	sdelay $0x3  }
0x98: {  	_ =	strace s17  }
0x99: {  	s3 =	sld [smem:$0x3FFC];
	_ =	sdelay $0x3  }
0x9a: {  	_ =	strace s3  }
0x9b: {  	s3 =	sld [smem:$0x3FFD];
	_ =	sdelay $0x3  }
0x9c: {  	_ =	strace s3  }
0x9d: {  	_ =	strace $0x8FFFFFFF  }
0x9e: {  	s18 =	sld [smem:$0x3FDB];
	_ =	sdelay $0x1  }
0x9f: {  	s19 =	simm.s32 $_scs_section_size  }
0xa0: {  	s5 =	simm.s32 $_size__tile_overlayer_lowered;
	s6 =	simm.s32 $_tile_overlayer_lowered  }
0xa1: {  	s22 =	simm.s32 $0x1BFF;
	s21 =	sshll.u32 s6, $0x1;
	s3 =	sadd.s32 s19, s18  }
0xa2: {  	s7 =	simm.s32 $0x0;
	s20 =	sshll.u32 s5, $0x1;
	s5 =	sadd.s32 s21, s3  }
0xa3: {  	[timem:s7], [sflag:s22] =	dma.local [hbm:s5], s20  }
0xa4: {  	_ =	swait.ge [sflag:s22], s20  }
0xa5: {  	s4 =	ssub.s32 $0x0, s20;
	[sflag:s22] =	ssyncset.done $0x0  }
0xa6: {  	[sflag:s22] =	ssyncadd.s32 s4;
	_ =	sdelay $0x1  }
0xa7: {  	s23 =	simm.s32 $0x1B8B  }
0xa8: {  	_ =	swait.ge [sflag:s23], $0x1  }
0xa9: {  	[sflag:s23] =	ssyncset.done $0x0  }
0xaa: {  	s25 =	simm.s32 $0x1B8E;
	s24 =	sld [smem:$0x3FFE];
	[sflag:s23] =	ssyncadd.s32 $0xFFFFFFFF  }
0xab: {  	s26 =	simm.s32 $execute0_lowered;
	[smem:$0x3FD2] =	sst s25  }
0xac: {  	s5 =	sshll.u32 s26, $0x1;
	_ =	strace $0x80000046;
	[dreg:$0x1] =	wrdreg $0xFFFFFFFF  }
0xad: {  	s28 =	simm.s32 $_size_execute0_lowered;
	s3 =	sadd.s32 s3, s5;
	[dreg:$0x0] =	wrdreg $0x0  }
0xae: {  	s5 =	sshll.u32 s28, $0x1;
	[dreg:$0x2] =	wrdreg s3  }
0xaf: {  	[dreg:$0x3] =	wrdreg s5  }
0xb0: {  	[dreg:$0x4] =	wrdreg $0xC0  }
0xb1: {  	_ =	task [dreg:s7], $0x5FFFF  }
0xb2: {  	[dreg:$0x1] =	wrdreg $0xFFFFFFFF  }
0xb3: {  	[dreg:$0x0] =	wrdreg $0x60  }
0xb4: {  	[dreg:$0x2] =	wrdreg s24  }
0xb5: {  	[dreg:$0x3] =	wrdreg s16  }
0xb6: {  	[dreg:$0x4] =	wrdreg $0x8900  }
0xb7: {  	[dreg:$0x5] =	wrdreg $0x9  }
0xb8: {  	_ =	task.clear_ibuf [dreg:s7], $0x6FFFF;
	_ =	strace $0x90000046  }
0xb9: {  	s29 =	simm.s32 $0x9;
	_ =	strace $0x80000048  }
0xba: {  	_ =	swait.ge [sflag:s29], $0x1  }
0xbb: {  	[sflag:s29] =	ssyncadd.s32 $0xFFFFFFFF  }
0xbc: {  	_ =	strace $0x90000048  }
0xbd: {  	_ =	sfence  }
0xbe: {  	s30 =	sld [smem:$0x0];
	_ =	sdelay $0x2  }
0xbf: {  	s31 =	sshll.u32 s1, $0xD;
	s1 =	sshrl.u32 s1, $0x2  }
0xc0: {  	s3 =	sand.u32 $0x4000, s31;
	s1 =	sadd.s32 s1, s30  }
0xc1: {  	s0 =	sor.u32 s3, s0;
	s1 =	sshll.u32 s1, $0x11  }
0xc2: {  	s0 =	sor.u32 s1, s0  }
0xc3: {  	s0 =	sadd.s32 $0x8F2B, s0  }
0xc4: {  	[sflag:s0] =	ssyncadd.remote.s32 $0x1  }
0xc5: {  	_ =	sfence.sel $0xFFFF  }
0xc6: {  	[dreg:$0x0] =	wrdreg $0xFFFFFFFF;
	(pc) =	sbr.abs _section_cstart, $3  }
0xc7: {  	[dreg:$0x1] =	wrdreg $0xFFFFFFFF  }
0xc8: {  	_ =	task.clear_ibuf [dreg:s7], $0x2FFFF;
	_ =	strace $0x9FFFFFFF  }
0xc9: {  	(tm) =	ssettm $0x7FFFFFFF  }
tec
execute0_lowered:
.L_overlay_start_1:
0x0: {  	(tag) =	ssettag $0x1  }
0x1: {  	s8 =	rddreg [dreg:$0x0]  }
0x2: {  	s11 =	rddreg [dreg:$0x1]  }
0x3: {  	s1 =	rddreg [dreg:$0x2]  }
0x4: {  	s0 =	rddreg [dreg:$0x3];
	s3 =	simm.s32 $0x0  }
0x5: {  	s2 =	stileid.u32;
	s5 =	srdreg.scid;
	s16 =	simm.s32 $0x800  }
0x6: {  	s17 =	simm.s32 $0x2;
	s18 =	simm.s32 $0x80;
	s19 =	simm.s32 $0x0  }
0x7: {  	s23 =	simm.s32 $0x0;
	[smem:$0x7FF] =	sst s3;
	s4 =	sadd.s32 $0x1800, s8  }
0x8: {  	s9 =	smul.u32 $0x2780, s2;
	s5 =	sand.u32 $0x1, s5;
	s6 =	sadd.s32 $0xA7A00, s8  }
0x9: {  	s7 =	sadd.s32 $0xB1800, s8;
	s30 =	sshll.u32 s2, $0x6;
	_ =	strace $0x80000047  }
0xa: {  	s10 =	ssub.s32 $0x2, s5;
	s14 =	smul.u32 $0x27800, s5;
	s12 =	sshrl.u32 s9, $0x3  }
.Ltmp0:
0xb: {  	s13 =	sshrl.u32 s10, $0x1;
	s15 =	sadd.s32 s9, s1;
	(pc) =	sbr.rel .LBB2_1-.Ltmp0, $4  }
0xc: {  	s12 =	sadd.s32 s12, s8;
	s13 =	ssub.s32 s10, s13;
	s8 =	sshll.u32 s2, $0x1  }
0xd: {  	s14 =	sadd.s32 s9, s14;
	s10 =	sor.u32 $0x1C01, s30;
	s9 =	sadd.s32 $0xB1A00, s12  }
0xe: {  	s31 =	sshrl.u32 s14, $0x3;
	s12 =	smax.u32 s13, $0x1;
	s13 =	sshrl.u32 s15, $0x3  }
0xf: {  	s14 =	simm.s32 $0x1;
	s15 =	simm.s32 $0x880;
	s11 =	sadd.s32 s11, s31  }
.LBB2_7:
0x10: {  	s19 =	sadd.s32 $0x1, s19  }
0x11: {  	p0 =	sne.s32 s19, s12  }
.Ltmp1:
0x12: {  	[bflag:$0x0] =	sbarrier.arrive $0xFFFF;
	(pc) =	sbr.rel @!p0 .LBB2_8-.Ltmp1, $4  }
0x13: {  	[hbm:s11], [sflag:s10] =	dma.local [spmem:s13], $0x4F0  }
0x14: {  	_ =	swait.ge [sflag:s14], $0x4F0  }
0x15: {  	[sflag:s14] =	ssyncset.done $0x0  }
0x16: {  	[sflag:s14] =	ssyncadd.s32 $0xFFFFFB10  }
.LBB2_1:
0x17: {  	[spmem:s13], [sflag:s10] =	dma.local [hbm:s9], $0x4F0  }
0x18: {  	_ =	swait.ge [sflag:s14], $0x4F0  }
0x19: {  	[sflag:s14] =	ssyncset.done $0x0  }
0x1a: {  	[sflag:s14] =	ssyncadd.s32 $0xFFFFFB10  }
0x1b: {  	[tilespmem:s15], [sflag:$0x1] =	stream.linear.gather [hbm4b:s7+s3], $0x10, $0x38;
	[tilespmem:$0x3010] =	vst v63  }
.Ltmp2:
0x1c: {  	_ =	swait.ge [sflag:s14], $0x10;
	(pc) =	sbr.rel .LBB2_2-.Ltmp2, $4  }
0x1d: {  	[sflag:s14] =	ssyncset.done $0x0  }
0x1e: {  	[sflag:s14] =	ssyncadd.s32 $0xFFFFFFF0  }
0x1f: {  	[bflag:$0x0] =	sbarrier.arrive $0xFFFF  }
0x20: {  	s20 =	simm.s32 $0x0;
	v0 =	vld [tilespmem:$0x880]  }
.LBB2_6:
0x21: {  	s20 =	sadd.s32 $0x1, s20  }
0x22: {  	p0 =	sne.s32 s20, $0x4F  }
.Ltmp3:
0x23: {  	_ = 	snop;
	(pc) =	sbr.rel @!p0 .LBB2_7-.Ltmp3, $1  }
0x24: {  	_ =	sdelay $0x3  }
.LBB2_2:
0x25: {  	s21 =	sshll.u32 s20, $0x5  }
0x26: {  	s21 =	sor.u32 s8, s21  }
0x27: {  	p0 =	sgt.u32 s21, $0x9C3  }
.Ltmp4:
0x28: {  	_ = 	snop;
	(pc) =	sbr.rel @p0 .LBB2_6-.Ltmp4, $1  }
0x29: {  	_ =	sdelay $0x3  }
0x2a: {  	s21 =	sor.u32 s5, s21  }
0x2b: {  	s22 =	sshll.u32 s21, $0x4  }
0x2c: {  	s22 =	sadd.s32 s6, s22  }
0x2d: {  	[tilespmem:s16], [sflag:$0x2] =	stream.linear.gather [hbm4b:s22+s23], $0x80, $0x38;
	[tilespmem:$0x3010] =	vst v63  }
0x2e: {  	_ =	swait.ge [sflag:s17], $0x80  }
0x2f: {  	s21 =	sshll.u32 s21, $0x8;
	[sflag:s17] =	ssyncset.done $0x0  }
0x30: {  	s21 =	sadd.s32 s4, s21;
	[sflag:s17] =	ssyncadd.s32 $0xFFFFFF80  }
0x31: {  	[tilespmem:s23], [sflag:$0x2] =	stream.linear.gather [hbm4b:s21+s23], $0x800, $0x38;
	[tilespmem:$0x3010] =	vst v63  }
0x32: {  	_ =	swait.ge [sflag:s17], $0x800  }
0x33: {  	[sflag:s17] =	ssyncset.done $0x0  }
0x34: {  	s22 =	simm.s32 $0x40;
	s21 =	simm.s32 $0x0;
	[sflag:s17] =	ssyncadd.s32 $0xFFFFF800  }
.LBB2_4:
0x35: {  	p0 =	sne.s32 s22, $0x1FC0;
	v1 =	vld [tilespmem:s21+$0x0];
	_ =	sdelay $0x4  }
0x36: {  	v1 =	vsub.f32 v1, v0;
	_ =	sdelay $0x1  }
0x37: {  	v1 =	vmul.f32 $1.442695020e+00, v1;
	_ =	sdelay $0x1  }
0x38: {  	(erf) = vpow2.f32 v1;
	_ =	sdelay $0x5  }
.Ltmp5:
0x39: {  	(pc) =	sbr.rel @p0 .LBB2_4-.Ltmp5, $3  }
0x3a: {  	_ =	sdelay $0x1  }
0x3b: {  	v1 =	vpop (erf)  }
0x3c: {  	[tilespmem:s21+$0x0] =	vst v1;
	s21 =	sshra.s32 s22, $0x2;
	s22 =	sadd.s32 $0x40, s22  }
0x3d: {  	v1 =	vld [tilespmem:s21+$0x0];
	_ =	sdelay $0x4  }
0x3e: {  	v1 =	vsub.f32 v1, v0;
	_ =	sdelay $0x1  }
0x3f: {  	v1 =	vmul.f32 $1.442695020e+00, v1;
	_ =	sdelay $0x1  }
0x40: {  	(erf) = vpow2.f32 v1;
	_ =	sdelay $0x8  }
0x41: {  	v1 =	vpop (erf)  }
.Ltmp6:
0x42: {  	[tilespmem:s21+$0x0] =	vst v1;
	(pc) =	sbr.rel .LBB2_6-.Ltmp6, $4  }
0x43: {  	[spmem:s1] =	stream.indirect.scatter.add.f32 [tilespmem:s3], [sflag:$0x1], $0x10, s16, s18, $0xb8;
	[tilespmem:$0x3010] =	vst v63  }
0x44: {  	_ =	swait.ge [sflag:s14], $0x800  }
0x45: {  	[sflag:s14] =	ssyncset.done $0x0  }
0x46: {  	[sflag:s14] =	ssyncadd.s32 $0xFFFFF800  }
.LBB2_8:
0x47: {  	_ =	sfence.sel $0x180000  }
0x48: {  	[bflag:$0x0] =	sbarrier.arrive $0xFFFF  }
0x49: {  	p0 =	sne.s32 s2, $0x0;
	_ =	strace $0x90000047  }
0x4a: {  	s0 =	sadd.s32 @!p0 $0x100000, s0;
	[bflag:$0x2] =	sbarrier.arrive $0xFFFF  }
0x4b: {  	[sflag:s0] =	ssyncadd.tile.s32 @!p0 $0x1;
	_ =	shalt  }
.Lfunc_end2:
_tile_overlayer_lowered:
.L_overlay_start_2:
0x4c: {  	(tag) =	ssettag $0x2  }
0x4d: {  	s0 =	rddreg [dreg:$0x0];
	s2 =	stileid.u32  }
0x4e: {  	s1 =	rddreg [dreg:$0x1];
	p0 =	sne.s32 s2, $0x0  }
0x4f: {  	s3 =	rddreg [dreg:$0x2];
	[bflag:$0x3] =	sbarrier.arrive $0xFFFF;
	s2 =	simm.s32 @!p0 $0x1C01  }
0x50: {  	[timem:s3], [sflag:s2] =	dma.local @!p0 [hbm:s0], s1  }
0x51: {  	s0 =	simm.s32 @!p0 $0x1  }
0x52: {  	_ =	swait.ge @!p0 [sflag:s0], s1  }
0x53: {  	s1 =	ssub.s32 @!p0 $0x0, s1;
	[sflag:s0] =	ssyncset.done @!p0 $0x0  }
0x54: {  	[sflag:s0] =	ssyncadd.s32 @!p0 s1  }
0x55: {  	[bflag:$0x3] =	sbarrier.arrive $0xFFFF  }
0x56: {  	_ =	shalt  }

</sc_bundles>
